<compile_context>
chip_gen: v7x
topology: tpu7x:2x2x1
jax: 0.10.2.dev20260603
libtpu: 0.0.44.dev20260713+nightly
codegen_flags: <defaults>
</compile_context>

<pallas_src>
import functools

import jax
import jax.numpy as jnp
from jax import lax
from jax.experimental import pallas as pl
from jax.experimental.pallas import tpu as pltpu
from jax.experimental.pallas import tpu_sc as plsc

_EPS = 1e-5


def _scale(g):
    return g * (1.0 / jnp.sqrt(1.0 + _EPS))


def _mm(x, w):
    return jnp.dot(x, w, preferred_element_type=jnp.float32)


def _roll(x, s):
    return jnp.roll(x, s, axis=1)


def _blockdiag(w16):
    row = jnp.concatenate([w16] * 8, axis=1)
    t = jnp.concatenate([row] * 8, axis=0)
    bi = lax.broadcasted_iota(jnp.int32, (128, 128), 0) // 16
    bj = lax.broadcasted_iota(jnp.int32, (128, 128), 1) // 16
    return jnp.where(bi == bj, t, 0.0)


def _pack_vec16(v16):
    return jnp.concatenate([v16] * 8, axis=1)


def _pad16(w, r0, c0):
    r, c = w.shape
    cols = ([jnp.zeros((r, c0), jnp.float32)] if c0 else []) + [w] + \
        ([jnp.zeros((r, 16 - c0 - c), jnp.float32)] if 16 - c0 - c else [])
    w = jnp.concatenate(cols, axis=1) if len(cols) > 1 else cols[0]
    rows = ([jnp.zeros((r0, 16), jnp.float32)] if r0 else []) + [w] + \
        ([jnp.zeros((16 - r0 - r, 16), jnp.float32)] if 16 - r0 - r else [])
    return jnp.concatenate(rows, axis=0) if len(rows) > 1 else rows[0]


def _group_softmax_weights(att, R):
    m = jnp.maximum(att, _roll(att, 16))
    m = jnp.maximum(m, _roll(m, 32))
    m = jnp.maximum(m, _roll(m, 64))
    m3 = m.reshape(R // 2, 2, 128)
    mp = jnp.max(m3, axis=1, keepdims=True)
    mfull = jnp.broadcast_to(mp, (R // 2, 2, 128)).reshape(R, 128)
    e = jnp.exp(att - mfull)
    s = e + _roll(e, 16)
    s = s + _roll(s, 32)
    s = s + _roll(s, 64)
    s3 = s.reshape(R // 2, 2, 128)
    sp = jnp.sum(s3, axis=1, keepdims=True)
    sfull = jnp.broadcast_to(sp, (R // 2, 2, 128)).reshape(R, 128)
    return e / sfull


def _group_sum(x, R):
    s = x + _roll(x, 16)
    s = s + _roll(s, 32)
    s = s + _roll(s, 64)
    s3 = s.reshape(R // 2, 2, 128)
    sp = jnp.sum(s3, axis=1, keepdims=True)
    return jnp.broadcast_to(sp, (R // 2, 2, 128)).reshape(R, 128)


def _ka_body(P, N, fT, xyzb, nidxp, W_m1, g_m1, b_m1, t1_o, gidx_o):
    i = pl.program_id(0)
    base = (i * P) // N * N
    fpc = _mm(fT[...], W_m1[...]) * _scale(g_m1[...]) + b_m1[...]
    fpc = jnp.maximum(fpc, 0.0)
    zeros5 = jnp.zeros((P, 5), jnp.float32)
    t1_o[...] = jnp.concatenate([xyzb[...], fpc, zeros5], axis=1)
    gidx_o[...] = nidxp[...] + base


def _kc_body(P, K, e1, xyzb, W_x1, g_x1, b_x1, W_fc1, W_mlp1, g_a1, b_a1,
             W_x2, g_x2, b_x2, t2_o, fxyz2_o):
    R = P * K // 8
    ed = e1[...]
    li = lax.broadcasted_iota(jnp.int32, (R, 128), 1) % 16

    x16 = jnp.concatenate([xyzb[...], jnp.zeros((P, 13), jnp.float32)], axis=1)
    x128 = jnp.concatenate([x16] * 8, axis=1)
    tile = jnp.broadcast_to(x128[:, None, :], (P, 2, 128)).reshape(R, 128)

    rel = tile - ed
    r2 = rel * rel
    d2 = r2 + _roll(r2, -1) + _roll(r2, -2)
    dis = jnp.sqrt(d2)

    fx = jnp.where(li == 0, dis, 0.0)
    fx = fx + jnp.where((li >= 1) & (li <= 3), _roll(rel, 1), 0.0)
    fx = fx + jnp.where((li >= 4) & (li <= 6), _roll(tile, 4), 0.0)
    fx = fx + jnp.where((li >= 7) & (li <= 9), _roll(ed, 7), 0.0)

    wx1 = _blockdiag(_pad16(W_x1[...], 0, 0))
    s1 = _pack_vec16(_pad16(_scale(g_x1[...]), 0, 0)[0:1])
    bb1 = _pack_vec16(_pad16(b_x1[...], 0, 0)[0:1])
    fx1 = jnp.maximum(_mm(fx, wx1) * s1 + bb1, 0.0)

    fcat = jnp.where(li < 8, _roll(ed, -3), _roll(fx1, 8))

    att = _mm(fcat, _blockdiag(W_fc1[...]))
    sc = _group_softmax_weights(att, R)
    aggf = _group_sum(fcat * sc, R)
    aggP = aggf.reshape(R // 2, 2, 128)[:, 0, 0:16]

    fagg = _mm(aggP, W_mlp1[...]) * _scale(g_a1[...]) + b_a1[...]
    fagg = jnp.maximum(fagg, 0.0)
    t2_o[...] = jnp.concatenate([fagg, jnp.zeros((P, 8), jnp.float32)], axis=1)

    wx2 = _blockdiag(_pad16(W_x2[...], 0, 8))
    s2 = _pack_vec16(_pad16(_scale(g_x2[...]), 0, 8)[0:1])
    bb2 = _pack_vec16(_pad16(b_x2[...], 0, 8)[0:1])
    fxyz2_o[...] = jnp.maximum(_mm(fx1, wx2) * s2 + bb2, 0.0)


def _ke_body(P, K, e2, fxyz2, fT, W_fc2, W_mlp2, g_a2, b_a2,
             W_m2, g_m2, b_m2, W_sc, g_sc, b_sc, out_o):
    R = P * K // 8
    li = lax.broadcasted_iota(jnp.int32, (R, 128), 1) % 16
    fcat2 = jnp.where(li < 8, e2[...], fxyz2[...])

    att = _mm(fcat2, _blockdiag(W_fc2[...]))
    sc = _group_softmax_weights(att, R)
    aggf = _group_sum(fcat2 * sc, R)
    aggP = aggf.reshape(R // 2, 2, 128)[:, 0, 0:16]

    fagg2 = _mm(aggP, W_mlp2[...]) * _scale(g_a2[...]) + b_a2[...]
    fagg2 = jnp.maximum(fagg2, 0.0)
    f_out = _mm(fagg2, W_m2[...]) * _scale(g_m2[...]) + b_m2[...]
    scb = _mm(fT[...], W_sc[...]) * _scale(g_sc[...]) + b_sc[...]
    y = f_out + scb
    out_o[...] = jnp.where(y >= 0.0, y, 0.2 * y)


def _sc_gather(table, gidx, E, CH):
    info = plsc.get_sparse_core_info()
    NC, NS = info.num_cores, info.num_subcores
    NW = NC * NS
    EW = E // NW
    mesh = plsc.VectorSubcoreMesh(core_axis_name="c", subcore_axis_name="s")

    NCH = EW // CH
    assert NCH % 2 == 1

    @functools.partial(
        pl.kernel,
        out_type=jax.ShapeDtypeStruct((E, 16), jnp.float32),
        mesh=mesh,
        scratch_types=[
            pltpu.VMEM((CH,), jnp.int32),
            pltpu.VMEM((CH,), jnp.int32),
            pltpu.VMEM((CH, 16), jnp.float32),
            pltpu.VMEM((CH, 16), jnp.float32),
            pltpu.SemaphoreType.DMA,
            pltpu.SemaphoreType.DMA,
        ],
        compiler_params=pltpu.CompilerParams(use_tc_tiling_on_sc=False),
    )
    def k(table_h, gidx_h, out_h, idx0, idx1, rows0, rows1, sem0, sem1):
        wid = lax.axis_index("s") * NC + lax.axis_index("c")
        base = wid * EW
        idx = (idx0, idx1)
        rows = (rows0, rows1)
        sem = (sem0, sem1)

        pltpu.sync_copy(gidx_h.at[pl.ds(base, CH)], idx0)
        pltpu.async_copy(table_h.at[idx0], rows0, sem0)

        def body(j, carry):
            for s in range(2):
                off = base + (j + s) * CH
                nxt = (s + 1) % 2

                @pl.when(j + s + 1 < NCH)
                def _():
                    pltpu.sync_copy(gidx_h.at[pl.ds(off + CH, CH)], idx[nxt])
                    pltpu.async_copy(table_h.at[idx[nxt]], rows[nxt], sem[nxt])

                pltpu.make_async_copy(table_h.at[idx[s]], rows[s], sem[s]).wait()
                pltpu.sync_copy(rows[s], out_h.at[pl.ds(off, CH)])
            return carry

        lax.fori_loop(0, (NCH - 1) // 2, lambda j, c: body(2 * j, c), 0)

        off = base + (NCH - 1) * CH
        pltpu.make_async_copy(table_h.at[idx0], rows0, sem0).wait()
        pltpu.sync_copy(rows0, out_h.at[pl.ds(off, CH)])

    return k(table, gidx)


def _full(shape):
    nd = len(shape)
    return pl.BlockSpec(shape, lambda i: (0,) * nd)


def kernel(feature, xyz, neigh_idx, W_m1, g_m1, b_m1, W_x1, g_x1, b_x1,
           W_fc1, W_mlp1, g_a1, b_a1, W_x2, g_x2, b_x2, W_fc2, W_mlp2,
           g_a2, b_a2, W_m2, g_m2, b_m2, W_sc, g_sc, b_sc):
    B, Cin, N, _ = feature.shape
    K = neigh_idx.shape[2]
    BN = B * N
    E = BN * K
    P = 2000
    G = BN // P
    RB = P * K // 8
    RI = P * K // 128

    fT = feature.reshape(B, Cin, N).transpose(0, 2, 1).reshape(BN, Cin)
    xyzf = xyz.reshape(BN, 3)
    nidxp = neigh_idx.reshape(G, E // 128 // G, 128)
    r1 = lambda v: v.reshape(1, -1)
    (g_m1, b_m1, g_x1, b_x1, g_a1, b_a1, g_x2, b_x2, g_a2, b_a2,
     g_m2, b_m2, g_sc, b_sc) = map(r1, (g_m1, b_m1, g_x1, b_x1, g_a1, b_a1,
                                        g_x2, b_x2, g_a2, b_a2, g_m2, b_m2,
                                        g_sc, b_sc))
    vmem = pltpu.CompilerParams(vmem_limit_bytes=128 * 1024 * 1024)

    t1, gidxp = pl.pallas_call(
        functools.partial(_ka_body, P, N),
        grid=(G,),
        in_specs=[
            pl.BlockSpec((P, Cin), lambda i: (i, 0)),
            pl.BlockSpec((P, 3), lambda i: (i, 0)),
            pl.BlockSpec((1, RI, 128), lambda i: (i, 0, 0)),
            _full(W_m1.shape), _full(g_m1.shape), _full(b_m1.shape),
        ],
        out_specs=[
            pl.BlockSpec((P, 16), lambda i: (i, 0)),
            pl.BlockSpec((1, RI, 128), lambda i: (i, 0, 0)),
        ],
        out_shape=[
            jax.ShapeDtypeStruct((BN, 16), jnp.float32),
            jax.ShapeDtypeStruct((G, E // 128 // G, 128), jnp.int32),
        ],
        compiler_params=vmem,
    )(fT, xyzf, nidxp, W_m1, g_m1, b_m1)

    gidx = gidxp.reshape(E)

    edges1 = _sc_gather(t1, gidx, E, 2000).reshape(E // 8, 128)

    t2, fxyz2 = pl.pallas_call(
        functools.partial(_kc_body, P, K),
        grid=(G,),
        in_specs=[
            pl.BlockSpec((RB, 128), lambda i: (i, 0)),
            pl.BlockSpec((P, 3), lambda i: (i, 0)),
            _full(W_x1.shape), _full(g_x1.shape), _full(b_x1.shape),
            _full(W_fc1.shape), _full(W_mlp1.shape),
            _full(g_a1.shape), _full(b_a1.shape),
            _full(W_x2.shape), _full(g_x2.shape), _full(b_x2.shape),
        ],
        out_specs=[
            pl.BlockSpec((P, 16), lambda i: (i, 0)),
            pl.BlockSpec((RB, 128), lambda i: (i, 0)),
        ],
        out_shape=[
            jax.ShapeDtypeStruct((BN, 16), jnp.float32),
            jax.ShapeDtypeStruct((E // 8, 128), jnp.float32),
        ],
        compiler_params=vmem,
    )(edges1, xyzf, W_x1, g_x1, b_x1, W_fc1, W_mlp1, g_a1, b_a1,
      W_x2, g_x2, b_x2)

    edges2 = _sc_gather(t2, gidx, E, 2000).reshape(E // 8, 128)

    out_pm = pl.pallas_call(
        functools.partial(_ke_body, P, K),
        grid=(G,),
        in_specs=[
            pl.BlockSpec((RB, 128), lambda i: (i, 0)),
            pl.BlockSpec((RB, 128), lambda i: (i, 0)),
            pl.BlockSpec((P, Cin), lambda i: (i, 0)),
            _full(W_fc2.shape), _full(W_mlp2.shape),
            _full(g_a2.shape), _full(b_a2.shape),
            _full(W_m2.shape), _full(g_m2.shape), _full(b_m2.shape),
            _full(W_sc.shape), _full(g_sc.shape), _full(b_sc.shape),
        ],
        out_specs=pl.BlockSpec((P, 32), lambda i: (i, 0)),
        out_shape=jax.ShapeDtypeStruct((BN, 32), jnp.float32),
        compiler_params=vmem,
    )(edges2, fxyz2, fT, W_fc2, W_mlp2, g_a2, b_a2, W_m2, g_m2, b_m2,
      W_sc, g_sc, b_sc)

    return out_pm.reshape(B, N, 32).transpose(0, 2, 1)[:, :, :, None]

# --- scband reference (transcript-rebuilt; emitter-appended) ---
"""Pipeline reference for scband-recon-rla-encoder-4217657885149 (READ-ONLY COPY).

The authoritative reference and input builder live on the scoring server;
editing this copy changes nothing except your own understanding.
"""

import jax, jax.numpy as jnp
import numpy as np

B, N, K = 2, 50000, 16
D_IN, D_OUT = 8, 16
EPS = 1e-5

def _bn(x, g, b):
    return x / jnp.sqrt(1.0 + EPS) * g + b

def _conv_bn(x, W, g, b, act=True):
    y = jnp.einsum('bnkc,cd->bnkd', x, W)
    y = _bn(y, g, b)
    return jax.nn.relu(y) if act else y

def _gather(pc, idx):
    Bb, Np, k = idx.shape
    d = pc.shape[2]
    flat = jnp.broadcast_to(idx.reshape(Bb, Np * k, 1), (Bb, Np * k, d))
    return jnp.take_along_axis(pc, flat, axis=1).reshape(Bb, Np, k, d)

def _rpe(xyz, idx):
    nb = _gather(xyz, idx)
    tile = jnp.broadcast_to(xyz[:, :, None, :], nb.shape)
    rel = tile - nb
    dis = jnp.sqrt(jnp.sum(rel * rel, axis=-1, keepdims=True))
    return jnp.concatenate([dis, rel, tile, nb], axis=-1)

def _att_pool(x, W_fc, W_mlp, g, b):
    att = jnp.einsum('bnkc,cd->bnkd', x, W_fc)
    sc = jax.nn.softmax(att, axis=2)
    agg = jnp.sum(x * sc, axis=2, keepdims=True)
    return _conv_bn(agg, W_mlp, g, b, True)

def setup_inputs(seed: int = 0):
    key = jax.random.key(seed)
    ks = jax.random.split(key, 12)
    feature = jax.random.normal(ks[0], (B, D_IN, N, 1), dtype=jnp.float32)
    xyz = jax.random.uniform(ks[1], (B, N, 3), dtype=jnp.float32)
    r = jax.random.randint(ks[2], (B, N, K), 0, N - 1)
    ar = jnp.arange(N)[None, :, None]
    neigh_idx = (r + (r >= ar)).astype(jnp.int32)
    def w(k, i, o):
        return jax.random.normal(k, (i, o), dtype=jnp.float32) / np.sqrt(i)
    h = D_OUT // 2
    return {
        'feature': feature, 'xyz': xyz, 'neigh_idx': neigh_idx,
        'W_m1': w(ks[3], D_IN, h), 'g_m1': jnp.ones((h,), jnp.float32), 'b_m1': jnp.zeros((h,), jnp.float32),
        'W_x1': w(ks[4], 10, h), 'g_x1': jnp.ones((h,), jnp.float32), 'b_x1': jnp.zeros((h,), jnp.float32),
        'W_fc1': w(ks[5], D_OUT, D_OUT),
        'W_mlp1': w(ks[6], D_OUT, h), 'g_a1': jnp.ones((h,), jnp.float32), 'b_a1': jnp.zeros((h,), jnp.float32),
        'W_x2': w(ks[7], h, h), 'g_x2': jnp.ones((h,), jnp.float32), 'b_x2': jnp.zeros((h,), jnp.float32),
        'W_fc2': w(ks[8], D_OUT, D_OUT),
        'W_mlp2': w(ks[9], D_OUT, D_OUT), 'g_a2': jnp.ones((D_OUT,), jnp.float32), 'b_a2': jnp.zeros((D_OUT,), jnp.float32),
        'W_m2': w(ks[10], D_OUT, 2 * D_OUT), 'g_m2': jnp.ones((2 * D_OUT,), jnp.float32), 'b_m2': jnp.zeros((2 * D_OUT,), jnp.float32),
        'W_sc': w(ks[11], D_IN, 2 * D_OUT), 'g_sc': jnp.ones((2 * D_OUT,), jnp.float32), 'b_sc': jnp.zeros((2 * D_OUT,), jnp.float32),
    }

def reference(feature, xyz, neigh_idx, W_m1, g_m1, b_m1, W_x1, g_x1, b_x1, W_fc1, W_mlp1, g_a1, b_a1, W_x2, g_x2, b_x2, W_fc2, W_mlp2, g_a2, b_a2, W_m2, g_m2, b_m2, W_sc, g_sc, b_sc):
    f = jnp.transpose(feature, (0, 2, 3, 1))
    f_pc = _conv_bn(f, W_m1, g_m1, b_m1, True)
    f_xyz = _rpe(xyz, neigh_idx)
    f_xyz1 = _conv_bn(f_xyz, W_x1, g_x1, b_x1, True)
    f_nb = _gather(f_pc[:, :, 0, :], neigh_idx)
    f_cat = jnp.concatenate([f_nb, f_xyz1], axis=-1)
    f_agg = _att_pool(f_cat, W_fc1, W_mlp1, g_a1, b_a1)
    f_xyz2 = _conv_bn(f_xyz1, W_x2, g_x2, b_x2, True)
    f_nb2 = _gather(f_agg[:, :, 0, :], neigh_idx)
    f_cat2 = jnp.concatenate([f_nb2, f_xyz2], axis=-1)
    f_agg2 = _att_pool(f_cat2, W_fc2, W_mlp2, g_a2, b_a2)
    f_out = _bn(jnp.einsum('bnkc,cd->bnkd', f_agg2, W_m2), g_m2, b_m2)
    sc = _bn(jnp.einsum('bnkc,cd->bnkd', f, W_sc), g_sc, b_sc)
    out = jax.nn.leaky_relu(f_out + sc, negative_slope=0.2)
    return jnp.transpose(out, (0, 3, 1, 2))

if __name__ == "__main__":
    import jax
    _d = setup_inputs()
    print(jax.jit(kernel)(*tuple(_d.values())))

</pallas_src>

<mosaic_0001>
#map = affine_map<(d0, d1) -> (0, 0)>
#map1 = affine_map<(d0, d1) -> (0)>
module attributes {stable_mosaic.version = 14 : i64} {
  func.func @k(%arg0: i32, %arg1: i32, %arg2: memref<100000x16xf32, #tpu.memory_space<hbm>>, %arg3: memref<1600000xi32, #tpu.memory_space<hbm>>, %arg4: memref<1600000x16xf32, #tpu.memory_space<hbm>>, %arg5: memref<2000xi32, #tpu.memory_space<vmem>>, %arg6: memref<2000xi32, #tpu.memory_space<vmem>>, %arg7: memref<2000x16xf32, #tpu.memory_space<vmem>>, %arg8: memref<2000x16xf32, #tpu.memory_space<vmem>>, %arg9: memref<!tpu.dma_semaphore, #tpu.memory_space<semaphore_mem>>, %arg10: memref<!tpu.dma_semaphore, #tpu.memory_space<semaphore_mem>>) attributes {dimension_semantics = [#tpu.dimension_semantics<core_parallel>, #tpu.dimension_semantics<subcore_parallel>], iteration_bounds = array<i64: 2, 16>, scalar_prefetch = 0 : i64, scratch_operands = 6 : i64, tpu.core_type = #tpu.core_type<sc_vector_subcore>, window_params = [{transform_indices = #map}, {transform_indices = #map1}, {transform_indices = #map}]} {
    %mul3A = arith.constant 2 : i32
    %mul3A_0 = arith.muli %arg1, %mul3A : i32
    %add3A = arith.addi %mul3A_0, %arg0 : i32
    %mul3A_1 = arith.constant 50000 : i32
    %mul3A_2 = arith.muli %add3A, %mul3A_1 : i32
    "tpu.region"() ({
      %run_scoped3A = tpu.sem_alloc : memref<!tpu.dma_semaphore, #tpu.memory_space<semaphore_mem>>
      %dma_start3A_14 = tpu.memref_slice %arg3[%mul3A_2] : memref<1600000xi32, #tpu.memory_space<hbm>> -> memref<2000xi32, #tpu.memory_space<hbm>>
      %dma_start3A_15 = tpu.memref_slice %arg3[%mul3A_2] : memref<1600000xi32, #tpu.memory_space<hbm>> -> memref<2000xi32, #tpu.memory_space<hbm>>
      tpu.enqueue_dma source(%dma_start3A_15 : memref<2000xi32, #tpu.memory_space<hbm>>) target(%arg5 : memref<2000xi32, #tpu.memory_space<vmem>>) target_semaphore(%run_scoped3A : memref<!tpu.dma_semaphore, #tpu.memory_space<semaphore_mem>>)
      %dma_wait3A_16 = tpu.memref_slice %arg3[%mul3A_2] : memref<1600000xi32, #tpu.memory_space<hbm>> -> memref<2000xi32, #tpu.memory_space<hbm>>
      %dma_wait3A_17 = tpu.memref_slice %arg3[%mul3A_2] : memref<1600000xi32, #tpu.memory_space<hbm>> -> memref<2000xi32, #tpu.memory_space<hbm>>
      tpu.wait_dma2 semaphore(%run_scoped3A : memref<!tpu.dma_semaphore, #tpu.memory_space<semaphore_mem>>) src(%dma_wait3A_17 : memref<2000xi32, #tpu.memory_space<hbm>>) dst(%arg5 : memref<2000xi32, #tpu.memory_space<vmem>>)
      tpu.yield
    }) : () -> ()
    %dma_start3A = arith.constant 0 : i32
    %dma_start3A_3 = arith.constant 0 : i32
    %dma_start3A_4 = tpu.memref_slice %arg2[%dma_start3A, %dma_start3A_3] : memref<100000x16xf32, #tpu.memory_space<hbm>> -> memref<100000x16xf32, #tpu.memory_space<hbm>>
    tpu.enqueue_indirect_dma source(%dma_start3A_4 : memref<100000x16xf32, #tpu.memory_space<hbm>>) target(%arg7 : memref<2000x16xf32, #tpu.memory_space<vmem>>) offsets(%arg5 : memref<2000xi32, #tpu.memory_space<vmem>>) semaphore(%arg9 : memref<!tpu.dma_semaphore, #tpu.memory_space<semaphore_mem>>)
    %scan3A = arith.constant 0 : i32
    %scan3A_5 = arith.constant 0 : i32
    %scan3A_6 = arith.constant 12 : i32
    %scan3A_7 = arith.addi %scan3A_5, %scan3A_6 : i32
    %scan3A_8 = arith.constant 1 : i32
    scf.for %scan3A_14 = %scan3A_5 to %scan3A_7 step %scan3A_8  : i32 {
      %mul3A_15 = arith.constant 2 : i32
      %mul3A_16 = arith.muli %mul3A_15, %scan3A_14 : i32
      %add3A_17 = arith.constant 0 : i32
      %add3A_18 = arith.addi %mul3A_16, %add3A_17 : i32
      %mul3A_19 = arith.constant 2000 : i32
      %mul3A_20 = arith.muli %add3A_18, %mul3A_19 : i32
      %add3A_21 = arith.addi %mul3A_2, %mul3A_20 : i32
      %add3A_22 = arith.constant 0 : i32
      %add3A_23 = arith.addi %mul3A_16, %add3A_22 : i32
      %add3A_24 = arith.constant 1 : i32
      %add3A_25 = arith.addi %add3A_23, %add3A_24 : i32
      %lt3A = arith.constant 25 : i32
      %lt3A_26 = arith.cmpi slt, %add3A_25, %lt3A : i32
      %convert_element_type3A = arith.extui %lt3A_26 : i1 to i32
      %cond3A = arith.constant 0 : i32
      %cond3A_27 = arith.cmpi ne, %convert_element_type3A, %cond3A : i32
      scf.if %cond3A_27 {
        %add3A_48 = arith.constant 2000 : i32
        %add3A_49 = arith.addi %add3A_21, %add3A_48 : i32
        "tpu.region"() ({
          %run_scoped3A = tpu.sem_alloc : memref<!tpu.dma_semaphore, #tpu.memory_space<semaphore_mem>>
          %dma_start3A_53 = tpu.memref_slice %arg3[%add3A_49] : memref<1600000xi32, #tpu.memory_space<hbm>> -> memref<2000xi32, #tpu.memory_space<hbm>>
          %dma_start3A_54 = tpu.memref_slice %arg3[%add3A_49] : memref<1600000xi32, #tpu.memory_space<hbm>> -> memref<2000xi32, #tpu.memory_space<hbm>>
          tpu.enqueue_dma source(%dma_start3A_54 : memref<2000xi32, #tpu.memory_space<hbm>>) target(%arg6 : memref<2000xi32, #tpu.memory_space<vmem>>) target_semaphore(%run_scoped3A : memref<!tpu.dma_semaphore, #tpu.memory_space<semaphore_mem>>)
          %dma_wait3A_55 = tpu.memref_slice %arg3[%add3A_49] : memref<1600000xi32, #tpu.memory_space<hbm>> -> memref<2000xi32, #tpu.memory_space<hbm>>
          %dma_wait3A_56 = tpu.memref_slice %arg3[%add3A_49] : memref<1600000xi32, #tpu.memory_space<hbm>> -> memref<2000xi32, #tpu.memory_space<hbm>>
          tpu.wait_dma2 semaphore(%run_scoped3A : memref<!tpu.dma_semaphore, #tpu.memory_space<semaphore_mem>>) src(%dma_wait3A_56 : memref<2000xi32, #tpu.memory_space<hbm>>) dst(%arg6 : memref<2000xi32, #tpu.memory_space<vmem>>)
          tpu.yield
        }) : () -> ()
        %dma_start3A_50 = arith.constant 0 : i32
        %dma_start3A_51 = arith.constant 0 : i32
        %dma_start3A_52 = tpu.memref_slice %arg2[%dma_start3A_50, %dma_start3A_51] : memref<100000x16xf32, #tpu.memory_space<hbm>> -> memref<100000x16xf32, #tpu.memory_space<hbm>>
        tpu.enqueue_indirect_dma source(%dma_start3A_52 : memref<100000x16xf32, #tpu.memory_space<hbm>>) target(%arg8 : memref<2000x16xf32, #tpu.memory_space<vmem>>) offsets(%arg6 : memref<2000xi32, #tpu.memory_space<vmem>>) semaphore(%arg10 : memref<!tpu.dma_semaphore, #tpu.memory_space<semaphore_mem>>)
      } else {
      }
      %dma_wait3A_28 = arith.constant 0 : i32
      %dma_wait3A_29 = arith.constant 0 : i32
      %dma_wait3A_30 = tpu.memref_slice %arg2[%dma_wait3A_28, %dma_wait3A_29] : memref<100000x16xf32, #tpu.memory_space<hbm>> -> memref<100000x16xf32, #tpu.memory_space<hbm>>
      tpu.wait_indirect_dma semaphore(%arg9 : memref<!tpu.dma_semaphore, #tpu.memory_space<semaphore_mem>>) src(%dma_wait3A_30 : memref<100000x16xf32, #tpu.memory_space<hbm>>) dst(%arg7 : memref<2000x16xf32, #tpu.memory_space<vmem>>)
      "tpu.region"() ({
        %run_scoped3A = tpu.sem_alloc : memref<!tpu.dma_semaphore, #tpu.memory_space<semaphore_mem>>
        %dma_start3A_48 = arith.constant 0 : i32
        %dma_start3A_49 = tpu.memref_slice %arg4[%add3A_21, %dma_start3A_48] : memref<1600000x16xf32, #tpu.memory_space<hbm>> -> memref<2000x16xf32, #tpu.memory_space<hbm>>
        %dma_start3A_50 = arith.constant 0 : i32
        %dma_start3A_51 = tpu.memref_slice %arg4[%add3A_21, %dma_start3A_50] : memref<1600000x16xf32, #tpu.memory_space<hbm>> -> memref<2000x16xf32, #tpu.memory_space<hbm>>
        tpu.enqueue_dma source(%arg7 : memref<2000x16xf32, #tpu.memory_space<vmem>>) target(%dma_start3A_51 : memref<2000x16xf32, #tpu.memory_space<hbm>>) target_semaphore(%run_scoped3A : memref<!tpu.dma_semaphore, #tpu.memory_space<semaphore_mem>>)
        %dma_wait3A_52 = arith.constant 0 : i32
        %dma_wait3A_53 = tpu.memref_slice %arg4[%add3A_21, %dma_wait3A_52] : memref<1600000x16xf32, #tpu.memory_space<hbm>> -> memref<2000x16xf32, #tpu.memory_space<hbm>>
        %dma_wait3A_54 = arith.constant 0 : i32
        %dma_wait3A_55 = tpu.memref_slice %arg4[%add3A_21, %dma_wait3A_54] : memref<1600000x16xf32, #tpu.memory_space<hbm>> -> memref<2000x16xf32, #tpu.memory_space<hbm>>
        tpu.wait_dma2 semaphore(%run_scoped3A : memref<!tpu.dma_semaphore, #tpu.memory_space<semaphore_mem>>) src(%arg7 : memref<2000x16xf32, #tpu.memory_space<vmem>>) dst(%dma_wait3A_55 : memref<2000x16xf32, #tpu.memory_space<hbm>>)
        tpu.yield
      }) : () -> ()
      %add3A_31 = arith.constant 1 : i32
      %add3A_32 = arith.addi %mul3A_16, %add3A_31 : i32
      %mul3A_33 = arith.constant 2000 : i32
      %mul3A_34 = arith.muli %add3A_32, %mul3A_33 : i32
      %add3A_35 = arith.addi %mul3A_2, %mul3A_34 : i32
      %add3A_36 = arith.constant 1 : i32
      %add3A_37 = arith.addi %mul3A_16, %add3A_36 : i32
      %add3A_38 = arith.constant 1 : i32
      %add3A_39 = arith.addi %add3A_37, %add3A_38 : i32
      %lt3A_40 = arith.constant 25 : i32
      %lt3A_41 = arith.cmpi slt, %add3A_39, %lt3A_40 : i32
      %convert_element_type3A_42 = arith.extui %lt3A_41 : i1 to i32
      %cond3A_43 = arith.constant 0 : i32
      %cond3A_44 = arith.cmpi ne, %convert_element_type3A_42, %cond3A_43 : i32
      scf.if %cond3A_44 {
        %add3A_48 = arith.constant 2000 : i32
        %add3A_49 = arith.addi %add3A_35, %add3A_48 : i32
        "tpu.region"() ({
          %run_scoped3A = tpu.sem_alloc : memref<!tpu.dma_semaphore, #tpu.memory_space<semaphore_mem>>
          %dma_start3A_53 = tpu.memref_slice %arg3[%add3A_49] : memref<1600000xi32, #tpu.memory_space<hbm>> -> memref<2000xi32, #tpu.memory_space<hbm>>
          %dma_start3A_54 = tpu.memref_slice %arg3[%add3A_49] : memref<1600000xi32, #tpu.memory_space<hbm>> -> memref<2000xi32, #tpu.memory_space<hbm>>
          tpu.enqueue_dma source(%dma_start3A_54 : memref<2000xi32, #tpu.memory_space<hbm>>) target(%arg5 : memref<2000xi32, #tpu.memory_space<vmem>>) target_semaphore(%run_scoped3A : memref<!tpu.dma_semaphore, #tpu.memory_space<semaphore_mem>>)
          %dma_wait3A_55 = tpu.memref_slice %arg3[%add3A_49] : memref<1600000xi32, #tpu.memory_space<hbm>> -> memref<2000xi32, #tpu.memory_space<hbm>>
          %dma_wait3A_56 = tpu.memref_slice %arg3[%add3A_49] : memref<1600000xi32, #tpu.memory_space<hbm>> -> memref<2000xi32, #tpu.memory_space<hbm>>
          tpu.wait_dma2 semaphore(%run_scoped3A : memref<!tpu.dma_semaphore, #tpu.memory_space<semaphore_mem>>) src(%dma_wait3A_56 : memref<2000xi32, #tpu.memory_space<hbm>>) dst(%arg5 : memref<2000xi32, #tpu.memory_space<vmem>>)
          tpu.yield
        }) : () -> ()
        %dma_start3A_50 = arith.constant 0 : i32
        %dma_start3A_51 = arith.constant 0 : i32
        %dma_start3A_52 = tpu.memref_slice %arg2[%dma_start3A_50, %dma_start3A_51] : memref<100000x16xf32, #tpu.memory_space<hbm>> -> memref<100000x16xf32, #tpu.memory_space<hbm>>
        tpu.enqueue_indirect_dma source(%dma_start3A_52 : memref<100000x16xf32, #tpu.memory_space<hbm>>) target(%arg7 : memref<2000x16xf32, #tpu.memory_space<vmem>>) offsets(%arg5 : memref<2000xi32, #tpu.memory_space<vmem>>) semaphore(%arg9 : memref<!tpu.dma_semaphore, #tpu.memory_space<semaphore_mem>>)
      } else {
      }
      %dma_wait3A_45 = arith.constant 0 : i32
      %dma_wait3A_46 = arith.constant 0 : i32
      %dma_wait3A_47 = tpu.memref_slice %arg2[%dma_wait3A_45, %dma_wait3A_46] : memref<100000x16xf32, #tpu.memory_space<hbm>> -> memref<100000x16xf32, #tpu.memory_space<hbm>>
      tpu.wait_indirect_dma semaphore(%arg10 : memref<!tpu.dma_semaphore, #tpu.memory_space<semaphore_mem>>) src(%dma_wait3A_47 : memref<100000x16xf32, #tpu.memory_space<hbm>>) dst(%arg8 : memref<2000x16xf32, #tpu.memory_space<vmem>>)
      "tpu.region"() ({
        %run_scoped3A = tpu.sem_alloc : memref<!tpu.dma_semaphore, #tpu.memory_space<semaphore_mem>>
        %dma_start3A_48 = arith.constant 0 : i32
        %dma_start3A_49 = tpu.memref_slice %arg4[%add3A_35, %dma_start3A_48] : memref<1600000x16xf32, #tpu.memory_space<hbm>> -> memref<2000x16xf32, #tpu.memory_space<hbm>>
        %dma_start3A_50 = arith.constant 0 : i32
        %dma_start3A_51 = tpu.memref_slice %arg4[%add3A_35, %dma_start3A_50] : memref<1600000x16xf32, #tpu.memory_space<hbm>> -> memref<2000x16xf32, #tpu.memory_space<hbm>>
        tpu.enqueue_dma source(%arg8 : memref<2000x16xf32, #tpu.memory_space<vmem>>) target(%dma_start3A_51 : memref<2000x16xf32, #tpu.memory_space<hbm>>) target_semaphore(%run_scoped3A : memref<!tpu.dma_semaphore, #tpu.memory_space<semaphore_mem>>)
        %dma_wait3A_52 = arith.constant 0 : i32
        %dma_wait3A_53 = tpu.memref_slice %arg4[%add3A_35, %dma_wait3A_52] : memref<1600000x16xf32, #tpu.memory_space<hbm>> -> memref<2000x16xf32, #tpu.memory_space<hbm>>
        %dma_wait3A_54 = arith.constant 0 : i32
        %dma_wait3A_55 = tpu.memref_slice %arg4[%add3A_35, %dma_wait3A_54] : memref<1600000x16xf32, #tpu.memory_space<hbm>> -> memref<2000x16xf32, #tpu.memory_space<hbm>>
        tpu.wait_dma2 semaphore(%run_scoped3A : memref<!tpu.dma_semaphore, #tpu.memory_space<semaphore_mem>>) src(%arg8 : memref<2000x16xf32, #tpu.memory_space<vmem>>) dst(%dma_wait3A_55 : memref<2000x16xf32, #tpu.memory_space<hbm>>)
        tpu.yield
      }) : () -> ()
    }
    %scan3A_9 = arith.constant 12 : i32
    %add3A_10 = arith.constant 48000 : i32
    %add3A_11 = arith.addi %mul3A_2, %add3A_10 : i32
    %dma_wait3A = arith.constant 0 : i32
    %dma_wait3A_12 = arith.constant 0 : i32
    %dma_wait3A_13 = tpu.memref_slice %arg2[%dma_wait3A, %dma_wait3A_12] : memref<100000x16xf32, #tpu.memory_space<hbm>> -> memref<100000x16xf32, #tpu.memory_space<hbm>>
    tpu.wait_indirect_dma semaphore(%arg9 : memref<!tpu.dma_semaphore, #tpu.memory_space<semaphore_mem>>) src(%dma_wait3A_13 : memref<100000x16xf32, #tpu.memory_space<hbm>>) dst(%arg7 : memref<2000x16xf32, #tpu.memory_space<vmem>>)
    "tpu.region"() ({
      %run_scoped3A = tpu.sem_alloc : memref<!tpu.dma_semaphore, #tpu.memory_space<semaphore_mem>>
      %dma_start3A_14 = arith.constant 0 : i32
      %dma_start3A_15 = tpu.memref_slice %arg4[%add3A_11, %dma_start3A_14] : memref<1600000x16xf32, #tpu.memory_space<hbm>> -> memref<2000x16xf32, #tpu.memory_space<hbm>>
      %dma_start3A_16 = arith.constant 0 : i32
      %dma_start3A_17 = tpu.memref_slice %arg4[%add3A_11, %dma_start3A_16] : memref<1600000x16xf32, #tpu.memory_space<hbm>> -> memref<2000x16xf32, #tpu.memory_space<hbm>>
      tpu.enqueue_dma source(%arg7 : memref<2000x16xf32, #tpu.memory_space<vmem>>) target(%dma_start3A_17 : memref<2000x16xf32, #tpu.memory_space<hbm>>) target_semaphore(%run_scoped3A : memref<!tpu.dma_semaphore, #tpu.memory_space<semaphore_mem>>)
      %dma_wait3A_18 = arith.constant 0 : i32
      %dma_wait3A_19 = tpu.memref_slice %arg4[%add3A_11, %dma_wait3A_18] : memref<1600000x16xf32, #tpu.memory_space<hbm>> -> memref<2000x16xf32, #tpu.memory_space<hbm>>
      %dma_wait3A_20 = arith.constant 0 : i32
      %dma_wait3A_21 = tpu.memref_slice %arg4[%add3A_11, %dma_wait3A_20] : memref<1600000x16xf32, #tpu.memory_space<hbm>> -> memref<2000x16xf32, #tpu.memory_space<hbm>>
      tpu.wait_dma2 semaphore(%run_scoped3A : memref<!tpu.dma_semaphore, #tpu.memory_space<semaphore_mem>>) src(%arg7 : memref<2000x16xf32, #tpu.memory_space<vmem>>) dst(%dma_wait3A_21 : memref<2000x16xf32, #tpu.memory_space<hbm>>)
      tpu.yield
    }) : () -> ()
    return
  }
}

#map = affine_map<(d0, d1) -> (0, 0)>
#map1 = affine_map<(d0, d1) -> (0)>
module attributes {stable_mosaic.version = 14 : i64} {
  func.func @k(%arg0: i32, %arg1: i32, %arg2: memref<100000x16xf32, #tpu.memory_space<hbm>>, %arg3: memref<1600000xi32, #tpu.memory_space<hbm>>, %arg4: memref<1600000x16xf32, #tpu.memory_space<hbm>>, %arg5: memref<2000xi32, #tpu.memory_space<vmem>>, %arg6: memref<2000xi32, #tpu.memory_space<vmem>>, %arg7: memref<2000x16xf32, #tpu.memory_space<vmem>>, %arg8: memref<2000x16xf32, #tpu.memory_space<vmem>>, %arg9: memref<!tpu.dma_semaphore, #tpu.memory_space<semaphore_mem>>, %arg10: memref<!tpu.dma_semaphore, #tpu.memory_space<semaphore_mem>>) attributes {dimension_semantics = [#tpu.dimension_semantics<core_parallel>, #tpu.dimension_semantics<subcore_parallel>], iteration_bounds = array<i64: 2, 16>, scalar_prefetch = 0 : i64, scratch_operands = 6 : i64, tpu.core_type = #tpu.core_type<sc_vector_subcore>, window_params = [{transform_indices = #map}, {transform_indices = #map1}, {transform_indices = #map}]} {
    %mul3A = arith.constant 2 : i32
    %mul3A_0 = arith.muli %arg1, %mul3A : i32
    %add3A = arith.addi %mul3A_0, %arg0 : i32
    %mul3A_1 = arith.constant 50000 : i32
    %mul3A_2 = arith.muli %add3A, %mul3A_1 : i32
    "tpu.region"() ({
      %run_scoped3A = tpu.sem_alloc : memref<!tpu.dma_semaphore, #tpu.memory_space<semaphore_mem>>
      %dma_start3A_14 = tpu.memref_slice %arg3[%mul3A_2] : memref<1600000xi32, #tpu.memory_space<hbm>> -> memref<2000xi32, #tpu.memory_space<hbm>>
      %dma_start3A_15 = tpu.memref_slice %arg3[%mul3A_2] : memref<1600000xi32, #tpu.memory_space<hbm>> -> memref<2000xi32, #tpu.memory_space<hbm>>
      tpu.enqueue_dma source(%dma_start3A_15 : memref<2000xi32, #tpu.memory_space<hbm>>) target(%arg5 : memref<2000xi32, #tpu.memory_space<vmem>>) target_semaphore(%run_scoped3A : memref<!tpu.dma_semaphore, #tpu.memory_space<semaphore_mem>>)
      %dma_wait3A_16 = tpu.memref_slice %arg3[%mul3A_2] : memref<1600000xi32, #tpu.memory_space<hbm>> -> memref<2000xi32, #tpu.memory_space<hbm>>
      %dma_wait3A_17 = tpu.memref_slice %arg3[%mul3A_2] : memref<1600000xi32, #tpu.memory_space<hbm>> -> memref<2000xi32, #tpu.memory_space<hbm>>
      tpu.wait_dma2 semaphore(%run_scoped3A : memref<!tpu.dma_semaphore, #tpu.memory_space<semaphore_mem>>) src(%dma_wait3A_17 : memref<2000xi32, #tpu.memory_space<hbm>>) dst(%arg5 : memref<2000xi32, #tpu.memory_space<vmem>>)
      tpu.yield
    }) : () -> ()
    %dma_start3A = arith.constant 0 : i32
    %dma_start3A_3 = arith.constant 0 : i32
    %dma_start3A_4 = tpu.memref_slice %arg2[%dma_start3A, %dma_start3A_3] : memref<100000x16xf32, #tpu.memory_space<hbm>> -> memref<100000x16xf32, #tpu.memory_space<hbm>>
    tpu.enqueue_indirect_dma source(%dma_start3A_4 : memref<100000x16xf32, #tpu.memory_space<hbm>>) target(%arg7 : memref<2000x16xf32, #tpu.memory_space<vmem>>) offsets(%arg5 : memref<2000xi32, #tpu.memory_space<vmem>>) semaphore(%arg9 : memref<!tpu.dma_semaphore, #tpu.memory_space<semaphore_mem>>)
    %scan3A = arith.constant 0 : i32
    %scan3A_5 = arith.constant 0 : i32
    %scan3A_6 = arith.constant 12 : i32
    %scan3A_7 = arith.addi %scan3A_5, %scan3A_6 : i32
    %scan3A_8 = arith.constant 1 : i32
    scf.for %scan3A_14 = %scan3A_5 to %scan3A_7 step %scan3A_8  : i32 {
      %mul3A_15 = arith.constant 2 : i32
      %mul3A_16 = arith.muli %mul3A_15, %scan3A_14 : i32
      %add3A_17 = arith.constant 0 : i32
      %add3A_18 = arith.addi %mul3A_16, %add3A_17 : i32
      %mul3A_19 = arith.constant 2000 : i32
      %mul3A_20 = arith.muli %add3A_18, %mul3A_19 : i32
      %add3A_21 = arith.addi %mul3A_2, %mul3A_20 : i32
      %add3A_22 = arith.constant 0 : i32
      %add3A_23 = arith.addi %mul3A_16, %add3A_22 : i32
      %add3A_24 = arith.constant 1 : i32
      %add3A_25 = arith.addi %add3A_23, %add3A_24 : i32
      %lt3A = arith.constant 25 : i32
      %lt3A_26 = arith.cmpi slt, %add3A_25, %lt3A : i32
      %convert_element_type3A = arith.extui %lt3A_26 : i1 to i32
      %cond3A = arith.constant 0 : i32
      %cond3A_27 = arith.cmpi ne, %convert_element_type3A, %cond3A : i32
      scf.if %cond3A_27 {
        %add3A_48 = arith.constant 2000 : i32
        %add3A_49 = arith.addi %add3A_21, %add3A_48 : i32
        "tpu.region"() ({
          %run_scoped3A = tpu.sem_alloc : memref<!tpu.dma_semaphore, #tpu.memory_space<semaphore_mem>>
          %dma_start3A_53 = tpu.memref_slice %arg3[%add3A_49] : memref<1600000xi32, #tpu.memory_space<hbm>> -> memref<2000xi32, #tpu.memory_space<hbm>>
          %dma_start3A_54 = tpu.memref_slice %arg3[%add3A_49] : memref<1600000xi32, #tpu.memory_space<hbm>> -> memref<2000xi32, #tpu.memory_space<hbm>>
          tpu.enqueue_dma source(%dma_start3A_54 : memref<2000xi32, #tpu.memory_space<hbm>>) target(%arg6 : memref<2000xi32, #tpu.memory_space<vmem>>) target_semaphore(%run_scoped3A : memref<!tpu.dma_semaphore, #tpu.memory_space<semaphore_mem>>)
          %dma_wait3A_55 = tpu.memref_slice %arg3[%add3A_49] : memref<1600000xi32, #tpu.memory_space<hbm>> -> memref<2000xi32, #tpu.memory_space<hbm>>
          %dma_wait3A_56 = tpu.memref_slice %arg3[%add3A_49] : memref<1600000xi32, #tpu.memory_space<hbm>> -> memref<2000xi32, #tpu.memory_space<hbm>>
          tpu.wait_dma2 semaphore(%run_scoped3A : memref<!tpu.dma_semaphore, #tpu.memory_space<semaphore_mem>>) src(%dma_wait3A_56 : memref<2000xi32, #tpu.memory_space<hbm>>) dst(%arg6 : memref<2000xi32, #tpu.memory_space<vmem>>)
          tpu.yield
        }) : () -> ()
        %dma_start3A_50 = arith.constant 0 : i32
        %dma_start3A_51 = arith.constant 0 : i32
        %dma_start3A_52 = tpu.memref_slice %arg2[%dma_start3A_50, %dma_start3A_51] : memref<100000x16xf32, #tpu.memory_space<hbm>> -> memref<100000x16xf32, #tpu.memory_space<hbm>>
        tpu.enqueue_indirect_dma source(%dma_start3A_52 : memref<100000x16xf32, #tpu.memory_space<hbm>>) target(%arg8 : memref<2000x16xf32, #tpu.memory_space<vmem>>) offsets(%arg6 : memref<2000xi32, #tpu.memory_space<vmem>>) semaphore(%arg10 : memref<!tpu.dma_semaphore, #tpu.memory_space<semaphore_mem>>)
      } else {
      }
      %dma_wait3A_28 = arith.constant 0 : i32
      %dma_wait3A_29 = arith.constant 0 : i32
      %dma_wait3A_30 = tpu.memref_slice %arg2[%dma_wait3A_28, %dma_wait3A_29] : memref<100000x16xf32, #tpu.memory_space<hbm>> -> memref<100000x16xf32, #tpu.memory_space<hbm>>
      tpu.wait_indirect_dma semaphore(%arg9 : memref<!tpu.dma_semaphore, #tpu.memory_space<semaphore_mem>>) src(%dma_wait3A_30 : memref<100000x16xf32, #tpu.memory_space<hbm>>) dst(%arg7 : memref<2000x16xf32, #tpu.memory_space<vmem>>)
      "tpu.region"() ({
        %run_scoped3A = tpu.sem_alloc : memref<!tpu.dma_semaphore, #tpu.memory_space<semaphore_mem>>
        %dma_start3A_48 = arith.constant 0 : i32
        %dma_start3A_49 = tpu.memref_slice %arg4[%add3A_21, %dma_start3A_48] : memref<1600000x16xf32, #tpu.memory_space<hbm>> -> memref<2000x16xf32, #tpu.memory_space<hbm>>
        %dma_start3A_50 = arith.constant 0 : i32
        %dma_start3A_51 = tpu.memref_slice %arg4[%add3A_21, %dma_start3A_50] : memref<1600000x16xf32, #tpu.memory_space<hbm>> -> memref<2000x16xf32, #tpu.memory_space<hbm>>
        tpu.enqueue_dma source(%arg7 : memref<2000x16xf32, #tpu.memory_space<vmem>>) target(%dma_start3A_51 : memref<2000x16xf32, #tpu.memory_space<hbm>>) target_semaphore(%run_scoped3A : memref<!tpu.dma_semaphore, #tpu.memory_space<semaphore_mem>>)
        %dma_wait3A_52 = arith.constant 0 : i32
        %dma_wait3A_53 = tpu.memref_slice %arg4[%add3A_21, %dma_wait3A_52] : memref<1600000x16xf32, #tpu.memory_space<hbm>> -> memref<2000x16xf32, #tpu.memory_space<hbm>>
        %dma_wait3A_54 = arith.constant 0 : i32
        %dma_wait3A_55 = tpu.memref_slice %arg4[%add3A_21, %dma_wait3A_54] : memref<1600000x16xf32, #tpu.memory_space<hbm>> -> memref<2000x16xf32, #tpu.memory_space<hbm>>
        tpu.wait_dma2 semaphore(%run_scoped3A : memref<!tpu.dma_semaphore, #tpu.memory_space<semaphore_mem>>) src(%arg7 : memref<2000x16xf32, #tpu.memory_space<vmem>>) dst(%dma_wait3A_55 : memref<2000x16xf32, #tpu.memory_space<hbm>>)
        tpu.yield
      }) : () -> ()
      %add3A_31 = arith.constant 1 : i32
      %add3A_32 = arith.addi %mul3A_16, %add3A_31 : i32
      %mul3A_33 = arith.constant 2000 : i32
      %mul3A_34 = arith.muli %add3A_32, %mul3A_33 : i32
      %add3A_35 = arith.addi %mul3A_2, %mul3A_34 : i32
      %add3A_36 = arith.constant 1 : i32
      %add3A_37 = arith.addi %mul3A_16, %add3A_36 : i32
      %add3A_38 = arith.constant 1 : i32
      %add3A_39 = arith.addi %add3A_37, %add3A_38 : i32
      %lt3A_40 = arith.constant 25 : i32
      %lt3A_41 = arith.cmpi slt, %add3A_39, %lt3A_40 : i32
      %convert_element_type3A_42 = arith.extui %lt3A_41 : i1 to i32
      %cond3A_43 = arith.constant 0 : i32
      %cond3A_44 = arith.cmpi ne, %convert_element_type3A_42, %cond3A_43 : i32
      scf.if %cond3A_44 {
        %add3A_48 = arith.constant 2000 : i32
        %add3A_49 = arith.addi %add3A_35, %add3A_48 : i32
        "tpu.region"() ({
          %run_scoped3A = tpu.sem_alloc : memref<!tpu.dma_semaphore, #tpu.memory_space<semaphore_mem>>
          %dma_start3A_53 = tpu.memref_slice %arg3[%add3A_49] : memref<1600000xi32, #tpu.memory_space<hbm>> -> memref<2000xi32, #tpu.memory_space<hbm>>
          %dma_start3A_54 = tpu.memref_slice %arg3[%add3A_49] : memref<1600000xi32, #tpu.memory_space<hbm>> -> memref<2000xi32, #tpu.memory_space<hbm>>
          tpu.enqueue_dma source(%dma_start3A_54 : memref<2000xi32, #tpu.memory_space<hbm>>) target(%arg5 : memref<2000xi32, #tpu.memory_space<vmem>>) target_semaphore(%run_scoped3A : memref<!tpu.dma_semaphore, #tpu.memory_space<semaphore_mem>>)
          %dma_wait3A_55 = tpu.memref_slice %arg3[%add3A_49] : memref<1600000xi32, #tpu.memory_space<hbm>> -> memref<2000xi32, #tpu.memory_space<hbm>>
          %dma_wait3A_56 = tpu.memref_slice %arg3[%add3A_49] : memref<1600000xi32, #tpu.memory_space<hbm>> -> memref<2000xi32, #tpu.memory_space<hbm>>
          tpu.wait_dma2 semaphore(%run_scoped3A : memref<!tpu.dma_semaphore, #tpu.memory_space<semaphore_mem>>) src(%dma_wait3A_56 : memref<2000xi32, #tpu.memory_space<hbm>>) dst(%arg5 : memref<2000xi32, #tpu.memory_space<vmem>>)
          tpu.yield
        }) : () -> ()
        %dma_start3A_50 = arith.constant 0 : i32
        %dma_start3A_51 = arith.constant 0 : i32
        %dma_start3A_52 = tpu.memref_slice %arg2[%dma_start3A_50, %dma_start3A_51] : memref<100000x16xf32, #tpu.memory_space<hbm>> -> memref<100000x16xf32, #tpu.memory_space<hbm>>
        tpu.enqueue_indirect_dma source(%dma_start3A_52 : memref<100000x16xf32, #tpu.memory_space<hbm>>) target(%arg7 : memref<2000x16xf32, #tpu.memory_space<vmem>>) offsets(%arg5 : memref<2000xi32, #tpu.memory_space<vmem>>) semaphore(%arg9 : memref<!tpu.dma_semaphore, #tpu.memory_space<semaphore_mem>>)
      } else {
      }
      %dma_wait3A_45 = arith.constant 0 : i32
      %dma_wait3A_46 = arith.constant 0 : i32
      %dma_wait3A_47 = tpu.memref_slice %arg2[%dma_wait3A_45, %dma_wait3A_46] : memref<100000x16xf32, #tpu.memory_space<hbm>> -> memref<100000x16xf32, #tpu.memory_space<hbm>>
      tpu.wait_indirect_dma semaphore(%arg10 : memref<!tpu.dma_semaphore, #tpu.memory_space<semaphore_mem>>) src(%dma_wait3A_47 : memref<100000x16xf32, #tpu.memory_space<hbm>>) dst(%arg8 : memref<2000x16xf32, #tpu.memory_space<vmem>>)
      "tpu.region"() ({
        %run_scoped3A = tpu.sem_alloc : memref<!tpu.dma_semaphore, #tpu.memory_space<semaphore_mem>>
        %dma_start3A_48 = arith.constant 0 : i32
        %dma_start3A_49 = tpu.memref_slice %arg4[%add3A_35, %dma_start3A_48] : memref<1600000x16xf32, #tpu.memory_space<hbm>> -> memref<2000x16xf32, #tpu.memory_space<hbm>>
        %dma_start3A_50 = arith.constant 0 : i32
        %dma_start3A_51 = tpu.memref_slice %arg4[%add3A_35, %dma_start3A_50] : memref<1600000x16xf32, #tpu.memory_space<hbm>> -> memref<2000x16xf32, #tpu.memory_space<hbm>>
        tpu.enqueue_dma source(%arg8 : memref<2000x16xf32, #tpu.memory_space<vmem>>) target(%dma_start3A_51 : memref<2000x16xf32, #tpu.memory_space<hbm>>) target_semaphore(%run_scoped3A : memref<!tpu.dma_semaphore, #tpu.memory_space<semaphore_mem>>)
        %dma_wait3A_52 = arith.constant 0 : i32
        %dma_wait3A_53 = tpu.memref_slice %arg4[%add3A_35, %dma_wait3A_52] : memref<1600000x16xf32, #tpu.memory_space<hbm>> -> memref<2000x16xf32, #tpu.memory_space<hbm>>
        %dma_wait3A_54 = arith.constant 0 : i32
        %dma_wait3A_55 = tpu.memref_slice %arg4[%add3A_35, %dma_wait3A_54] : memref<1600000x16xf32, #tpu.memory_space<hbm>> -> memref<2000x16xf32, #tpu.memory_space<hbm>>
        tpu.wait_dma2 semaphore(%run_scoped3A : memref<!tpu.dma_semaphore, #tpu.memory_space<semaphore_mem>>) src(%arg8 : memref<2000x16xf32, #tpu.memory_space<vmem>>) dst(%dma_wait3A_55 : memref<2000x16xf32, #tpu.memory_space<hbm>>)
        tpu.yield
      }) : () -> ()
    }
    %scan3A_9 = arith.constant 12 : i32
    %add3A_10 = arith.constant 48000 : i32
    %add3A_11 = arith.addi %mul3A_2, %add3A_10 : i32
    %dma_wait3A = arith.constant 0 : i32
    %dma_wait3A_12 = arith.constant 0 : i32
    %dma_wait3A_13 = tpu.memref_slice %arg2[%dma_wait3A, %dma_wait3A_12] : memref<100000x16xf32, #tpu.memory_space<hbm>> -> memref<100000x16xf32, #tpu.memory_space<hbm>>
    tpu.wait_indirect_dma semaphore(%arg9 : memref<!tpu.dma_semaphore, #tpu.memory_space<semaphore_mem>>) src(%dma_wait3A_13 : memref<100000x16xf32, #tpu.memory_space<hbm>>) dst(%arg7 : memref<2000x16xf32, #tpu.memory_space<vmem>>)
    "tpu.region"() ({
      %run_scoped3A = tpu.sem_alloc : memref<!tpu.dma_semaphore, #tpu.memory_space<semaphore_mem>>
      %dma_start3A_14 = arith.constant 0 : i32
      %dma_start3A_15 = tpu.memref_slice %arg4[%add3A_11, %dma_start3A_14] : memref<1600000x16xf32, #tpu.memory_space<hbm>> -> memref<2000x16xf32, #tpu.memory_space<hbm>>
      %dma_start3A_16 = arith.constant 0 : i32
      %dma_start3A_17 = tpu.memref_slice %arg4[%add3A_11, %dma_start3A_16] : memref<1600000x16xf32, #tpu.memory_space<hbm>> -> memref<2000x16xf32, #tpu.memory_space<hbm>>
      tpu.enqueue_dma source(%arg7 : memref<2000x16xf32, #tpu.memory_space<vmem>>) target(%dma_start3A_17 : memref<2000x16xf32, #tpu.memory_space<hbm>>) target_semaphore(%run_scoped3A : memref<!tpu.dma_semaphore, #tpu.memory_space<semaphore_mem>>)
      %dma_wait3A_18 = arith.constant 0 : i32
      %dma_wait3A_19 = tpu.memref_slice %arg4[%add3A_11, %dma_wait3A_18] : memref<1600000x16xf32, #tpu.memory_space<hbm>> -> memref<2000x16xf32, #tpu.memory_space<hbm>>
      %dma_wait3A_20 = arith.constant 0 : i32
      %dma_wait3A_21 = tpu.memref_slice %arg4[%add3A_11, %dma_wait3A_20] : memref<1600000x16xf32, #tpu.memory_space<hbm>> -> memref<2000x16xf32, #tpu.memory_space<hbm>>
      tpu.wait_dma2 semaphore(%run_scoped3A : memref<!tpu.dma_semaphore, #tpu.memory_space<semaphore_mem>>) src(%arg7 : memref<2000x16xf32, #tpu.memory_space<vmem>>) dst(%dma_wait3A_21 : memref<2000x16xf32, #tpu.memory_space<hbm>>)
      tpu.yield
    }) : () -> ()
    return
  }
}

module attributes {stable_mosaic.version = 14 : i64} {
  func.func @_ka_body(%arg0: i32, %arg1: memref<2000x8xf32, #tpu.memory_space<vmem>>, %arg2: memref<2000x3xf32, #tpu.memory_space<vmem>>, %arg3: memref<1x250x128xi32, #tpu.memory_space<vmem>>, %arg4: memref<8x8xf32, #tpu.memory_space<vmem>>, %arg5: memref<1x8xf32, #tpu.memory_space<vmem>>, %arg6: memref<1x8xf32, #tpu.memory_space<vmem>>, %arg7: memref<2000x16xf32, #tpu.memory_space<vmem>>, %arg8: memref<1x250x128xi32, #tpu.memory_space<vmem>>) attributes {dimension_semantics = [#tpu.dimension_semantics<arbitrary>], iteration_bounds = array<i64: 50>, scalar_prefetch = 0 : i64, scratch_operands = 0 : i64, tpu.core_type = #tpu.core_type<tc>, window_params = [{transform_indices = @transform_0, window_bounds = array<i64: 2000, 8>}, {transform_indices = @transform_1, window_bounds = array<i64: 2000, 3>}, {transform_indices = @transform_2, window_bounds = array<i64: 1, 250, 128>}, {pipeline_mode = #tpu.pipeline_mode<synchronous>, transform_indices = @transform_3, window_bounds = array<i64: 8, 8>}, {pipeline_mode = #tpu.pipeline_mode<synchronous>, transform_indices = @transform_4, window_bounds = array<i64: 1, 8>}, {pipeline_mode = #tpu.pipeline_mode<synchronous>, transform_indices = @transform_5, window_bounds = array<i64: 1, 8>}, {transform_indices = @transform_6, window_bounds = array<i64: 2000, 16>}, {transform_indices = @transform_7, window_bounds = array<i64: 1, 250, 128>}]} {
    %mul3A = arith.constant 2000 : i32
    %mul3A_0 = arith.muli %arg0, %mul3A : i32
    %jit3A = arith.constant 50000 : i32
    %div3A = arith.divsi %mul3A_0, %jit3A : i32
    %sign3A = arith.constant 0 : i32
    %sign3A_1 = arith.cmpi sgt, %mul3A_0, %sign3A : i32
    %sign3A_2 = arith.extui %sign3A_1 : i1 to i32
    %sign3A_3 = arith.constant 0 : i32
    %sign3A_4 = arith.cmpi slt, %mul3A_0, %sign3A_3 : i32
    %sign3A_5 = arith.extui %sign3A_4 : i1 to i32
    %sign3A_6 = arith.subi %sign3A_2, %sign3A_5 : i32
    %sign3A_7 = arith.constant 0 : i32
    %sign3A_8 = arith.cmpi sgt, %jit3A, %sign3A_7 : i32
    %sign3A_9 = arith.extui %sign3A_8 : i1 to i32
    %sign3A_10 = arith.constant 0 : i32
    %sign3A_11 = arith.cmpi slt, %jit3A, %sign3A_10 : i32
    %sign3A_12 = arith.extui %sign3A_11 : i1 to i32
    %sign3A_13 = arith.subi %sign3A_9, %sign3A_12 : i32
    %ne3A = arith.cmpi ne, %sign3A_6, %sign3A_13 : i32
    %rem3A = arith.remsi %mul3A_0, %jit3A : i32
    %ne3A_14 = arith.constant 0 : i32
    %ne3A_15 = arith.cmpi ne, %rem3A, %ne3A_14 : i32
    %and3A = arith.andi %ne3A, %ne3A_15 : i1
    %sub3A = arith.constant 1 : i32
    %sub3A_16 = arith.subi %div3A, %sub3A : i32
    %select_n3A = arith.select %and3A, %sub3A_16, %div3A : i32
    %mul3A_17 = arith.constant 50000 : i32
    %mul3A_18 = arith.muli %select_n3A, %mul3A_17 : i32
    %get3A = arith.constant 0 : index
    %get3A_19 = arith.constant 0 : index
    %get3A_20 = vector.load %arg1[%get3A, %get3A_19] : memref<2000x8xf32, #tpu.memory_space<vmem>>, vector<2000x8xf32>
    %get3A_21 = arith.constant 0 : index
    %get3A_22 = arith.constant 0 : index
    %get3A_23 = vector.load %arg4[%get3A_21, %get3A_22] : memref<8x8xf32, #tpu.memory_space<vmem>>, vector<8x8xf32>
    %dot_general3A = arith.constant dense<0.000000e+00> : vector<2000x8xf32>
    %dot_general3A_24 = tpu.matmul %get3A_20, %get3A_23, %dot_general3A {dimension_numbers = #tpu.dot_dimension_numbers<[1], [0], [0], [1], [0, 0, 1, 1], [], []>, transpose_lhs_hint = false} : vector<2000x8xf32>, vector<8x8xf32>, vector<2000x8xf32> -> vector<2000x8xf32>
    %get3A_25 = arith.constant 0 : index
    %get3A_26 = arith.constant 0 : index
    %get3A_27 = vector.load %arg5[%get3A_25, %get3A_26] : memref<1x8xf32, #tpu.memory_space<vmem>>, vector<1x8xf32>
    %sqrt3A = arith.constant 1.000010e+00 : f32
    %sqrt3A_28 = math.sqrt %sqrt3A : f32
    %div3A_29 = arith.constant 1.000000e+00 : f32
    %div3A_30 = arith.divf %div3A_29, %sqrt3A_28 : f32
    %mul3A_31 = vector.broadcast %div3A_30 : f32 to vector<1x8xf32>
    %mul3A_32 = arith.mulf %get3A_27, %mul3A_31 : vector<1x8xf32>
    %mul3A_33 = vector.broadcast %mul3A_32 : vector<1x8xf32> to vector<2000x8xf32>
    %mul3A_34 = arith.mulf %dot_general3A_24, %mul3A_33 : vector<2000x8xf32>
    %get3A_35 = arith.constant 0 : index
    %get3A_36 = arith.constant 0 : index
    %get3A_37 = vector.load %arg6[%get3A_35, %get3A_36] : memref<1x8xf32, #tpu.memory_space<vmem>>, vector<1x8xf32>
    %add3A = vector.broadcast %get3A_37 : vector<1x8xf32> to vector<2000x8xf32>
    %add3A_38 = arith.addf %mul3A_34, %add3A : vector<2000x8xf32>
    %max3A = arith.constant 0.000000e+00 : f32
    %max3A_39 = vector.broadcast %max3A : f32 to vector<2000x8xf32>
    %max3A_40 = arith.maximumf %add3A_38, %max3A_39 : vector<2000x8xf32>
    %broadcast_in_dim3A = arith.constant 0.000000e+00 : f32
    %broadcast_in_dim3A_41 = vector.broadcast %broadcast_in_dim3A : f32 to vector<2000x5xf32>
    %get3A_42 = arith.constant 0 : index
    %get3A_43 = arith.constant 0 : index
    %get3A_44 = vector.load %arg2[%get3A_42, %get3A_43] : memref<2000x3xf32, #tpu.memory_space<vmem>>, vector<2000x3xf32>
    %concatenate3A = tpu.concatenate %get3A_44, %max3A_40, %broadcast_in_dim3A_41 in 1 : vector<2000x3xf32>, vector<2000x8xf32>, vector<2000x5xf32> -> vector<2000x16xf32>
    %swap3A = arith.constant 0 : index
    %swap3A_45 = arith.constant 0 : index
    %swap3A_46 = vector.load %arg7[%swap3A, %swap3A_45] : memref<2000x16xf32, #tpu.memory_space<vmem>>, vector<2000x16xf32>
    tpu.vector_store %arg7[%swap3A, %swap3A_45], %concatenate3A {strides = array<i32>} : memref<2000x16xf32, #tpu.memory_space<vmem>>, vector<2000x16xf32>,
    %get3A_47 = arith.constant 0 : index
    %get3A_48 = arith.constant 0 : index
    %get3A_49 = arith.constant 0 : index
    %get3A_50 = vector.load %arg3[%get3A_47, %get3A_48, %get3A_49] : memref<1x250x128xi32, #tpu.memory_space<vmem>>, vector<1x250x128xi32>
    %add3A_51 = vector.broadcast %mul3A_18 : i32 to vector<1x250x128xi32>
    %add3A_52 = arith.addi %get3A_50, %add3A_51 : vector<1x250x128xi32>
    %swap3A_53 = arith.constant 0 : index
    %swap3A_54 = arith.constant 0 : index
    %swap3A_55 = arith.constant 0 : index
    %swap3A_56 = vector.load %arg8[%swap3A_53, %swap3A_54, %swap3A_55] : memref<1x250x128xi32, #tpu.memory_space<vmem>>, vector<1x250x128xi32>
    tpu.vector_store %arg8[%swap3A_53, %swap3A_54, %swap3A_55], %add3A_52 {strides = array<i32>} : memref<1x250x128xi32, #tpu.memory_space<vmem>>, vector<1x250x128xi32>,
    return
  }
  func.func @transform_0(%arg0: i32) -> (i32, i32) {
    %c0_i32 = arith.constant 0 : i32
    %c0_i32_0 = arith.constant 0 : i32
    return %arg0, %c0_i32 : i32, i32
  }
  func.func @transform_1(%arg0: i32) -> (i32, i32) {
    %c0_i32 = arith.constant 0 : i32
    %c0_i32_0 = arith.constant 0 : i32
    return %arg0, %c0_i32 : i32, i32
  }
  func.func @transform_2(%arg0: i32) -> (i32, i32, i32) {
    %c0_i32 = arith.constant 0 : i32
    %c0_i32_0 = arith.constant 0 : i32
    %c0_i32_1 = arith.constant 0 : i32
    return %arg0, %c0_i32, %c0_i32_0 : i32, i32, i32
  }
  func.func @transform_3(%arg0: i32) -> (i32, i32) {
    %c0_i32 = arith.constant 0 : i32
    %c0_i32_0 = arith.constant 0 : i32
    %c0_i32_1 = arith.constant 0 : i32
    return %c0_i32, %c0_i32_0 : i32, i32
  }
  func.func @transform_4(%arg0: i32) -> (i32, i32) {
    %c0_i32 = arith.constant 0 : i32
    %c0_i32_0 = arith.constant 0 : i32
    %c0_i32_1 = arith.constant 0 : i32
    return %c0_i32, %c0_i32_0 : i32, i32
  }
  func.func @transform_5(%arg0: i32) -> (i32, i32) {
    %c0_i32 = arith.constant 0 : i32
    %c0_i32_0 = arith.constant 0 : i32
    %c0_i32_1 = arith.constant 0 : i32
    return %c0_i32, %c0_i32_0 : i32, i32
  }
  func.func @transform_6(%arg0: i32) -> (i32, i32) {
    %c0_i32 = arith.constant 0 : i32
    %c0_i32_0 = arith.constant 0 : i32
    return %arg0, %c0_i32 : i32, i32
  }
  func.func @transform_7(%arg0: i32) -> (i32, i32, i32) {
    %c0_i32 = arith.constant 0 : i32
    %c0_i32_0 = arith.constant 0 : i32
    %c0_i32_1 = arith.constant 0 : i32
    return %arg0, %c0_i32, %c0_i32_0 : i32, i32, i32
  }
}

module attributes {stable_mosaic.version = 14 : i64} {
  func.func @_kc_body(%arg0: i32, %arg1: memref<4000x128xf32, #tpu.memory_space<vmem>>, %arg2: memref<2000x3xf32, #tpu.memory_space<vmem>>, %arg3: memref<10x8xf32, #tpu.memory_space<vmem>>, %arg4: memref<1x8xf32, #tpu.memory_space<vmem>>, %arg5: memref<1x8xf32, #tpu.memory_space<vmem>>, %arg6: memref<16x16xf32, #tpu.memory_space<vmem>>, %arg7: memref<16x8xf32, #tpu.memory_space<vmem>>, %arg8: memref<1x8xf32, #tpu.memory_space<vmem>>, %arg9: memref<1x8xf32, #tpu.memory_space<vmem>>, %arg10: memref<8x8xf32, #tpu.memory_space<vmem>>, %arg11: memref<1x8xf32, #tpu.memory_space<vmem>>, %arg12: memref<1x8xf32, #tpu.memory_space<vmem>>, %arg13: memref<2000x16xf32, #tpu.memory_space<vmem>>, %arg14: memref<4000x128xf32, #tpu.memory_space<vmem>>) attributes {dimension_semantics = [#tpu.dimension_semantics<arbitrary>], iteration_bounds = array<i64: 50>, scalar_prefetch = 0 : i64, scratch_operands = 0 : i64, tpu.core_type = #tpu.core_type<tc>, window_params = [{transform_indices = @transform_0, window_bounds = array<i64: 4000, 128>}, {transform_indices = @transform_1, window_bounds = array<i64: 2000, 3>}, {pipeline_mode = #tpu.pipeline_mode<synchronous>, transform_indices = @transform_2, window_bounds = array<i64: 10, 8>}, {pipeline_mode = #tpu.pipeline_mode<synchronous>, transform_indices = @transform_3, window_bounds = array<i64: 1, 8>}, {pipeline_mode = #tpu.pipeline_mode<synchronous>, transform_indices = @transform_4, window_bounds = array<i64: 1, 8>}, {pipeline_mode = #tpu.pipeline_mode<synchronous>, transform_indices = @transform_5, window_bounds = array<i64: 16, 16>}, {pipeline_mode = #tpu.pipeline_mode<synchronous>, transform_indices = @transform_6, window_bounds = array<i64: 16, 8>}, {pipeline_mode = #tpu.pipeline_mode<synchronous>, transform_indices = @transform_7, window_bounds = array<i64: 1, 8>}, {pipeline_mode = #tpu.pipeline_mode<synchronous>, transform_indices = @transform_8, window_bounds = array<i64: 1, 8>}, {pipeline_mode = #tpu.pipeline_mode<synchronous>, transform_indices = @transform_9, window_bounds = array<i64: 8, 8>}, {pipeline_mode = #tpu.pipeline_mode<synchronous>, transform_indices = @transform_10, window_bounds = array<i64: 1, 8>}, {pipeline_mode = #tpu.pipeline_mode<synchronous>, transform_indices = @transform_11, window_bounds = array<i64: 1, 8>}, {transform_indices = @transform_12, window_bounds = array<i64: 2000, 16>}, {transform_indices = @transform_13, window_bounds = array<i64: 4000, 128>}]} {
    %get3A = arith.constant 0 : index
    %get3A_0 = arith.constant 0 : index
    %get3A_1 = vector.load %arg1[%get3A, %get3A_0] : memref<4000x128xf32, #tpu.memory_space<vmem>>, vector<4000x128xf32>
    %iota3A = tpu.iota {dimensions = array<i32: 1>} : vector<4000x128xi32>
    %jit3A = arith.constant 16 : i32
    %eq3A = arith.constant 0 : i32
    %eq3A_2 = arith.cmpi eq, %jit3A, %eq3A : i32
    %jit3A_3 = arith.constant 1 : i32
    %select_n3A = arith.select %eq3A_2, %jit3A_3, %jit3A : i32
    %rem3A = vector.broadcast %select_n3A : i32 to vector<4000x128xi32>
    %rem3A_4 = arith.remsi %iota3A, %rem3A : vector<4000x128xi32>
    %ne3A = arith.constant 0 : i32
    %ne3A_5 = vector.broadcast %ne3A : i32 to vector<4000x128xi32>
    %ne3A_6 = arith.cmpi ne, %rem3A_4, %ne3A_5 : vector<4000x128xi32>
    %lt3A = arith.constant 0 : i32
    %lt3A_7 = vector.broadcast %lt3A : i32 to vector<4000x128xi32>
    %lt3A_8 = arith.cmpi slt, %rem3A_4, %lt3A_7 : vector<4000x128xi32>
    %lt3A_9 = arith.constant 0 : i32
    %lt3A_10 = arith.cmpi slt, %select_n3A, %lt3A_9 : i32
    %ne3A_11 = vector.broadcast %lt3A_10 : i1 to vector<4000x128xi1>
    %ne3A_12 = vector.broadcast %ne3A_11 : vector<4000x128xi1> to vector<4000x128xi1>
    %ne3A_13 = arith.xori %lt3A_8, %ne3A_12 : vector<4000x128xi1>
    %and3A = arith.andi %ne3A_13, %ne3A_6 : vector<4000x128xi1>
    %add3A = vector.broadcast %select_n3A : i32 to vector<4000x128xi32>
    %add3A_14 = arith.addi %rem3A_4, %add3A : vector<4000x128xi32>
    %select_n3A_15 = arith.select %and3A, %add3A_14, %rem3A_4 : vector<4000x128xi1>, vector<4000x128xi32>
    %get3A_16 = arith.constant 0 : index
    %get3A_17 = arith.constant 0 : index
    %get3A_18 = vector.load %arg2[%get3A_16, %get3A_17] : memref<2000x3xf32, #tpu.memory_space<vmem>>, vector<2000x3xf32>
    %broadcast_in_dim3A = arith.constant 0.000000e+00 : f32
    %broadcast_in_dim3A_19 = vector.broadcast %broadcast_in_dim3A : f32 to vector<2000x13xf32>
    %concatenate3A = tpu.concatenate %get3A_18, %broadcast_in_dim3A_19 in 1 : vector<2000x3xf32>, vector<2000x13xf32> -> vector<2000x16xf32>
    %concatenate3A_20 = tpu.concatenate %concatenate3A, %concatenate3A, %concatenate3A, %concatenate3A, %concatenate3A, %concatenate3A, %concatenate3A, %concatenate3A in 1 : vector<2000x16xf32>, vector<2000x16xf32>, vector<2000x16xf32>, vector<2000x16xf32>, vector<2000x16xf32>, vector<2000x16xf32>, vector<2000x16xf32>, vector<2000x16xf32> -> vector<2000x128xf32>
    %broadcast_in_dim3A_21 = vector.shape_cast %concatenate3A_20 : vector<2000x128xf32> to vector<2000x1x128xf32>
    %broadcast_in_dim3A_22 = vector.shape_cast %broadcast_in_dim3A_21 : vector<2000x1x128xf32> to vector<2000x1x128xf32>
    %broadcast_in_dim3A_23 = vector.broadcast %broadcast_in_dim3A_22 : vector<2000x1x128xf32> to vector<2000x2x128xf32>
    %reshape3A = vector.shape_cast %broadcast_in_dim3A_23 : vector<2000x2x128xf32> to vector<4000x128xf32>
    %sub3A = arith.subf %reshape3A, %get3A_1 : vector<4000x128xf32>
    %mul3A = arith.mulf %sub3A, %sub3A : vector<4000x128xf32>
    %slice3A = vector.extract_strided_slice %mul3A {offsets = [0, 1], sizes = [4000, 127], strides = [1, 1]} : vector<4000x128xf32> to vector<4000x127xf32>
    %slice3A_24 = vector.extract_strided_slice %mul3A {offsets = [0, 0], sizes = [4000, 1], strides = [1, 1]} : vector<4000x128xf32> to vector<4000x1xf32>
    %concatenate3A_25 = tpu.concatenate %slice3A, %slice3A_24 in 1 : vector<4000x127xf32>, vector<4000x1xf32> -> vector<4000x128xf32>
    %add3A_26 = arith.addf %mul3A, %concatenate3A_25 : vector<4000x128xf32>
    %slice3A_27 = vector.extract_strided_slice %mul3A {offsets = [0, 2], sizes = [4000, 126], strides = [1, 1]} : vector<4000x128xf32> to vector<4000x126xf32>
    %slice3A_28 = vector.extract_strided_slice %mul3A {offsets = [0, 0], sizes = [4000, 2], strides = [1, 1]} : vector<4000x128xf32> to vector<4000x2xf32>
    %concatenate3A_29 = tpu.concatenate %slice3A_27, %slice3A_28 in 1 : vector<4000x126xf32>, vector<4000x2xf32> -> vector<4000x128xf32>
    %add3A_30 = arith.addf %add3A_26, %concatenate3A_29 : vector<4000x128xf32>
    %sqrt3A = math.sqrt %add3A_30 : vector<4000x128xf32>
    %eq3A_31 = arith.constant 0 : i32
    %eq3A_32 = vector.broadcast %eq3A_31 : i32 to vector<4000x128xi32>
    %eq3A_33 = arith.cmpi eq, %select_n3A_15, %eq3A_32 : vector<4000x128xi32>
    %jit3A_34 = arith.constant 0.000000e+00 : f32
    %broadcast_in_dim3A_35 = vector.broadcast %jit3A_34 : f32 to vector<4000x128xf32>
    %select_n3A_36 = arith.select %eq3A_33, %sqrt3A, %broadcast_in_dim3A_35 : vector<4000x128xi1>, vector<4000x128xf32>
    %ge3A = arith.constant 1 : i32
    %ge3A_37 = vector.broadcast %ge3A : i32 to vector<4000x128xi32>
    %ge3A_38 = arith.cmpi sge, %select_n3A_15, %ge3A_37 : vector<4000x128xi32>
    %le3A = arith.constant 3 : i32
    %le3A_39 = vector.broadcast %le3A : i32 to vector<4000x128xi32>
    %le3A_40 = arith.cmpi sle, %select_n3A_15, %le3A_39 : vector<4000x128xi32>
    %and3A_41 = arith.andi %ge3A_38, %le3A_40 : vector<4000x128xi1>
    %slice3A_42 = vector.extract_strided_slice %sub3A {offsets = [0, 127], sizes = [4000, 1], strides = [1, 1]} : vector<4000x128xf32> to vector<4000x1xf32>
    %slice3A_43 = vector.extract_strided_slice %sub3A {offsets = [0, 0], sizes = [4000, 127], strides = [1, 1]} : vector<4000x128xf32> to vector<4000x127xf32>
    %concatenate3A_44 = tpu.concatenate %slice3A_42, %slice3A_43 in 1 : vector<4000x1xf32>, vector<4000x127xf32> -> vector<4000x128xf32>
    %jit3A_45 = arith.constant 0.000000e+00 : f32
    %broadcast_in_dim3A_46 = vector.broadcast %jit3A_45 : f32 to vector<4000x128xf32>
    %select_n3A_47 = arith.select %and3A_41, %concatenate3A_44, %broadcast_in_dim3A_46 : vector<4000x128xi1>, vector<4000x128xf32>
    %add3A_48 = arith.addf %select_n3A_36, %select_n3A_47 : vector<4000x128xf32>
    %ge3A_49 = arith.constant 4 : i32
    %ge3A_50 = vector.broadcast %ge3A_49 : i32 to vector<4000x128xi32>
    %ge3A_51 = arith.cmpi sge, %select_n3A_15, %ge3A_50 : vector<4000x128xi32>
    %le3A_52 = arith.constant 6 : i32
    %le3A_53 = vector.broadcast %le3A_52 : i32 to vector<4000x128xi32>
    %le3A_54 = arith.cmpi sle, %select_n3A_15, %le3A_53 : vector<4000x128xi32>
    %and3A_55 = arith.andi %ge3A_51, %le3A_54 : vector<4000x128xi1>
    %slice3A_56 = vector.extract_strided_slice %reshape3A {offsets = [0, 124], sizes = [4000, 4], strides = [1, 1]} : vector<4000x128xf32> to vector<4000x4xf32>
    %slice3A_57 = vector.extract_strided_slice %reshape3A {offsets = [0, 0], sizes = [4000, 124], strides = [1, 1]} : vector<4000x128xf32> to vector<4000x124xf32>
    %concatenate3A_58 = tpu.concatenate %slice3A_56, %slice3A_57 in 1 : vector<4000x4xf32>, vector<4000x124xf32> -> vector<4000x128xf32>
    %jit3A_59 = arith.constant 0.000000e+00 : f32
    %broadcast_in_dim3A_60 = vector.broadcast %jit3A_59 : f32 to vector<4000x128xf32>
    %select_n3A_61 = arith.select %and3A_55, %concatenate3A_58, %broadcast_in_dim3A_60 : vector<4000x128xi1>, vector<4000x128xf32>
    %add3A_62 = arith.addf %add3A_48, %select_n3A_61 : vector<4000x128xf32>
    %ge3A_63 = arith.constant 7 : i32
    %ge3A_64 = vector.broadcast %ge3A_63 : i32 to vector<4000x128xi32>
    %ge3A_65 = arith.cmpi sge, %select_n3A_15, %ge3A_64 : vector<4000x128xi32>
    %le3A_66 = arith.constant 9 : i32
    %le3A_67 = vector.broadcast %le3A_66 : i32 to vector<4000x128xi32>
    %le3A_68 = arith.cmpi sle, %select_n3A_15, %le3A_67 : vector<4000x128xi32>
    %and3A_69 = arith.andi %ge3A_65, %le3A_68 : vector<4000x128xi1>
    %slice3A_70 = vector.extract_strided_slice %get3A_1 {offsets = [0, 121], sizes = [4000, 7], strides = [1, 1]} : vector<4000x128xf32> to vector<4000x7xf32>
    %slice3A_71 = vector.extract_strided_slice %get3A_1 {offsets = [0, 0], sizes = [4000, 121], strides = [1, 1]} : vector<4000x128xf32> to vector<4000x121xf32>
    %concatenate3A_72 = tpu.concatenate %slice3A_70, %slice3A_71 in 1 : vector<4000x7xf32>, vector<4000x121xf32> -> vector<4000x128xf32>
    %jit3A_73 = arith.constant 0.000000e+00 : f32
    %broadcast_in_dim3A_74 = vector.broadcast %jit3A_73 : f32 to vector<4000x128xf32>
    %select_n3A_75 = arith.select %and3A_69, %concatenate3A_72, %broadcast_in_dim3A_74 : vector<4000x128xi1>, vector<4000x128xf32>
    %add3A_76 = arith.addf %add3A_62, %select_n3A_75 : vector<4000x128xf32>
    %get3A_77 = arith.constant 0 : index
    %get3A_78 = arith.constant 0 : index
    %get3A_79 = vector.load %arg3[%get3A_77, %get3A_78] : memref<10x8xf32, #tpu.memory_space<vmem>>, vector<10x8xf32>
    %broadcast_in_dim3A_80 = arith.constant 0.000000e+00 : f32
    %broadcast_in_dim3A_81 = vector.broadcast %broadcast_in_dim3A_80 : f32 to vector<10x8xf32>
    %concatenate3A_82 = tpu.concatenate %get3A_79, %broadcast_in_dim3A_81 in 1 : vector<10x8xf32>, vector<10x8xf32> -> vector<10x16xf32>
    %broadcast_in_dim3A_83 = arith.constant 0.000000e+00 : f32
    %broadcast_in_dim3A_84 = vector.broadcast %broadcast_in_dim3A_83 : f32 to vector<6x16xf32>
    %concatenate3A_85 = tpu.concatenate %concatenate3A_82, %broadcast_in_dim3A_84 in 0 : vector<10x16xf32>, vector<6x16xf32> -> vector<16x16xf32>
    %concatenate3A_86 = tpu.concatenate %concatenate3A_85, %concatenate3A_85, %concatenate3A_85, %concatenate3A_85, %concatenate3A_85, %concatenate3A_85, %concatenate3A_85, %concatenate3A_85 in 1 : vector<16x16xf32>, vector<16x16xf32>, vector<16x16xf32>, vector<16x16xf32>, vector<16x16xf32>, vector<16x16xf32>, vector<16x16xf32>, vector<16x16xf32> -> vector<16x128xf32>
    %concatenate3A_87 = tpu.concatenate %concatenate3A_86, %concatenate3A_86, %concatenate3A_86, %concatenate3A_86, %concatenate3A_86, %concatenate3A_86, %concatenate3A_86, %concatenate3A_86 in 0 : vector<16x128xf32>, vector<16x128xf32>, vector<16x128xf32>, vector<16x128xf32>, vector<16x128xf32>, vector<16x128xf32>, vector<16x128xf32>, vector<16x128xf32> -> vector<128x128xf32>
    %iota3A_88 = tpu.iota {dimensions = array<i32: 0>} : vector<128x128xi32>
    %jit3A_89 = arith.constant 16 : i32
    %div3A = vector.broadcast %jit3A_89 : i32 to vector<128x128xi32>
    %div3A_90 = arith.divsi %iota3A_88, %div3A : vector<128x128xi32>
    %sign3A = arith.constant 0 : i32
    %sign3A_91 = vector.broadcast %sign3A : i32 to vector<128x128xi32>
    %sign3A_92 = arith.cmpi sgt, %iota3A_88, %sign3A_91 : vector<128x128xi32>
    %sign3A_93 = arith.extui %sign3A_92 : vector<128x128xi1> to vector<128x128xi32>
    %sign3A_94 = arith.constant 0 : i32
    %sign3A_95 = vector.broadcast %sign3A_94 : i32 to vector<128x128xi32>
    %sign3A_96 = arith.cmpi slt, %iota3A_88, %sign3A_95 : vector<128x128xi32>
    %sign3A_97 = arith.extui %sign3A_96 : vector<128x128xi1> to vector<128x128xi32>
    %sign3A_98 = arith.subi %sign3A_93, %sign3A_97 : vector<128x128xi32>
    %sign3A_99 = arith.constant 0 : i32
    %sign3A_100 = arith.cmpi sgt, %jit3A_89, %sign3A_99 : i32
    %sign3A_101 = arith.extui %sign3A_100 : i1 to i32
    %sign3A_102 = arith.constant 0 : i32
    %sign3A_103 = arith.cmpi slt, %jit3A_89, %sign3A_102 : i32
    %sign3A_104 = arith.extui %sign3A_103 : i1 to i32
    %sign3A_105 = arith.subi %sign3A_101, %sign3A_104 : i32
    %ne3A_106 = vector.broadcast %sign3A_105 : i32 to vector<128x128xi32>
    %ne3A_107 = arith.cmpi ne, %sign3A_98, %ne3A_106 : vector<128x128xi32>
    %rem3A_108 = vector.broadcast %jit3A_89 : i32 to vector<128x128xi32>
    %rem3A_109 = arith.remsi %iota3A_88, %rem3A_108 : vector<128x128xi32>
    %ne3A_110 = arith.constant 0 : i32
    %ne3A_111 = vector.broadcast %ne3A_110 : i32 to vector<128x128xi32>
    %ne3A_112 = arith.cmpi ne, %rem3A_109, %ne3A_111 : vector<128x128xi32>
    %and3A_113 = arith.andi %ne3A_107, %ne3A_112 : vector<128x128xi1>
    %sub3A_114 = arith.constant 1 : i32
    %sub3A_115 = vector.broadcast %sub3A_114 : i32 to vector<128x128xi32>
    %sub3A_116 = arith.subi %div3A_90, %sub3A_115 : vector<128x128xi32>
    %select_n3A_117 = arith.select %and3A_113, %sub3A_116, %div3A_90 : vector<128x128xi1>, vector<128x128xi32>
    %iota3A_118 = tpu.iota {dimensions = array<i32: 1>} : vector<128x128xi32>
    %jit3A_119 = arith.constant 16 : i32
    %div3A_120 = vector.broadcast %jit3A_119 : i32 to vector<128x128xi32>
    %div3A_121 = arith.divsi %iota3A_118, %div3A_120 : vector<128x128xi32>
    %sign3A_122 = arith.constant 0 : i32
    %sign3A_123 = vector.broadcast %sign3A_122 : i32 to vector<128x128xi32>
    %sign3A_124 = arith.cmpi sgt, %iota3A_118, %sign3A_123 : vector<128x128xi32>
    %sign3A_125 = arith.extui %sign3A_124 : vector<128x128xi1> to vector<128x128xi32>
    %sign3A_126 = arith.constant 0 : i32
    %sign3A_127 = vector.broadcast %sign3A_126 : i32 to vector<128x128xi32>
    %sign3A_128 = arith.cmpi slt, %iota3A_118, %sign3A_127 : vector<128x128xi32>
    %sign3A_129 = arith.extui %sign3A_128 : vector<128x128xi1> to vector<128x128xi32>
    %sign3A_130 = arith.subi %sign3A_125, %sign3A_129 : vector<128x128xi32>
    %sign3A_131 = arith.constant 0 : i32
    %sign3A_132 = arith.cmpi sgt, %jit3A_119, %sign3A_131 : i32
    %sign3A_133 = arith.extui %sign3A_132 : i1 to i32
    %sign3A_134 = arith.constant 0 : i32
    %sign3A_135 = arith.cmpi slt, %jit3A_119, %sign3A_134 : i32
    %sign3A_136 = arith.extui %sign3A_135 : i1 to i32
    %sign3A_137 = arith.subi %sign3A_133, %sign3A_136 : i32
    %ne3A_138 = vector.broadcast %sign3A_137 : i32 to vector<128x128xi32>
    %ne3A_139 = arith.cmpi ne, %sign3A_130, %ne3A_138 : vector<128x128xi32>
    %rem3A_140 = vector.broadcast %jit3A_119 : i32 to vector<128x128xi32>
    %rem3A_141 = arith.remsi %iota3A_118, %rem3A_140 : vector<128x128xi32>
    %ne3A_142 = arith.constant 0 : i32
    %ne3A_143 = vector.broadcast %ne3A_142 : i32 to vector<128x128xi32>
    %ne3A_144 = arith.cmpi ne, %rem3A_141, %ne3A_143 : vector<128x128xi32>
    %and3A_145 = arith.andi %ne3A_139, %ne3A_144 : vector<128x128xi1>
    %sub3A_146 = arith.constant 1 : i32
    %sub3A_147 = vector.broadcast %sub3A_146 : i32 to vector<128x128xi32>
    %sub3A_148 = arith.subi %div3A_121, %sub3A_147 : vector<128x128xi32>
    %select_n3A_149 = arith.select %and3A_145, %sub3A_148, %div3A_121 : vector<128x128xi1>, vector<128x128xi32>
    %eq3A_150 = arith.cmpi eq, %select_n3A_117, %select_n3A_149 : vector<128x128xi32>
    %jit3A_151 = arith.constant 0.000000e+00 : f32
    %broadcast_in_dim3A_152 = vector.broadcast %jit3A_151 : f32 to vector<128x128xf32>
    %select_n3A_153 = arith.select %eq3A_150, %concatenate3A_87, %broadcast_in_dim3A_152 : vector<128x128xi1>, vector<128x128xf32>
    %get3A_154 = arith.constant 0 : index
    %get3A_155 = arith.constant 0 : index
    %get3A_156 = vector.load %arg4[%get3A_154, %get3A_155] : memref<1x8xf32, #tpu.memory_space<vmem>>, vector<1x8xf32>
    %sqrt3A_157 = arith.constant 1.000010e+00 : f32
    %sqrt3A_158 = math.sqrt %sqrt3A_157 : f32
    %div3A_159 = arith.constant 1.000000e+00 : f32
    %div3A_160 = arith.divf %div3A_159, %sqrt3A_158 : f32
    %mul3A_161 = vector.broadcast %div3A_160 : f32 to vector<1x8xf32>
    %mul3A_162 = arith.mulf %get3A_156, %mul3A_161 : vector<1x8xf32>
    %broadcast_in_dim3A_163 = arith.constant 0.000000e+00 : f32
    %broadcast_in_dim3A_164 = vector.broadcast %broadcast_in_dim3A_163 : f32 to vector<1x8xf32>
    %concatenate3A_165 = tpu.concatenate %mul3A_162, %broadcast_in_dim3A_164 in 1 : vector<1x8xf32>, vector<1x8xf32> -> vector<1x16xf32>
    %broadcast_in_dim3A_166 = arith.constant 0.000000e+00 : f32
    %broadcast_in_dim3A_167 = vector.broadcast %broadcast_in_dim3A_166 : f32 to vector<15x16xf32>
    %concatenate3A_168 = tpu.concatenate %concatenate3A_165, %broadcast_in_dim3A_167 in 0 : vector<1x16xf32>, vector<15x16xf32> -> vector<16x16xf32>
    %slice3A_169 = vector.extract_strided_slice %concatenate3A_168 {offsets = [0, 0], sizes = [1, 16], strides = [1, 1]} : vector<16x16xf32> to vector<1x16xf32>
    %concatenate3A_170 = tpu.concatenate %slice3A_169, %slice3A_169, %slice3A_169, %slice3A_169, %slice3A_169, %slice3A_169, %slice3A_169, %slice3A_169 in 1 : vector<1x16xf32>, vector<1x16xf32>, vector<1x16xf32>, vector<1x16xf32>, vector<1x16xf32>, vector<1x16xf32>, vector<1x16xf32>, vector<1x16xf32> -> vector<1x128xf32>
    %get3A_171 = arith.constant 0 : index
    %get3A_172 = arith.constant 0 : index
    %get3A_173 = vector.load %arg5[%get3A_171, %get3A_172] : memref<1x8xf32, #tpu.memory_space<vmem>>, vector<1x8xf32>
    %broadcast_in_dim3A_174 = arith.constant 0.000000e+00 : f32
    %broadcast_in_dim3A_175 = vector.broadcast %broadcast_in_dim3A_174 : f32 to vector<1x8xf32>
    %concatenate3A_176 = tpu.concatenate %get3A_173, %broadcast_in_dim3A_175 in 1 : vector<1x8xf32>, vector<1x8xf32> -> vector<1x16xf32>
    %broadcast_in_dim3A_177 = arith.constant 0.000000e+00 : f32
    %broadcast_in_dim3A_178 = vector.broadcast %broadcast_in_dim3A_177 : f32 to vector<15x16xf32>
    %concatenate3A_179 = tpu.concatenate %concatenate3A_176, %broadcast_in_dim3A_178 in 0 : vector<1x16xf32>, vector<15x16xf32> -> vector<16x16xf32>
    %slice3A_180 = vector.extract_strided_slice %concatenate3A_179 {offsets = [0, 0], sizes = [1, 16], strides = [1, 1]} : vector<16x16xf32> to vector<1x16xf32>
    %concatenate3A_181 = tpu.concatenate %slice3A_180, %slice3A_180, %slice3A_180, %slice3A_180, %slice3A_180, %slice3A_180, %slice3A_180, %slice3A_180 in 1 : vector<1x16xf32>, vector<1x16xf32>, vector<1x16xf32>, vector<1x16xf32>, vector<1x16xf32>, vector<1x16xf32>, vector<1x16xf32>, vector<1x16xf32> -> vector<1x128xf32>
    %dot_general3A = arith.constant dense<0.000000e+00> : vector<4000x128xf32>
    %dot_general3A_182 = tpu.matmul %add3A_76, %select_n3A_153, %dot_general3A {dimension_numbers = #tpu.dot_dimension_numbers<[1], [0], [0], [1], [0, 0, 1, 1], [], []>, transpose_lhs_hint = false} : vector<4000x128xf32>, vector<128x128xf32>, vector<4000x128xf32> -> vector<4000x128xf32>
    %mul3A_183 = vector.broadcast %concatenate3A_170 : vector<1x128xf32> to vector<4000x128xf32>
    %mul3A_184 = arith.mulf %dot_general3A_182, %mul3A_183 : vector<4000x128xf32>
    %add3A_185 = vector.broadcast %concatenate3A_181 : vector<1x128xf32> to vector<4000x128xf32>
    %add3A_186 = arith.addf %mul3A_184, %add3A_185 : vector<4000x128xf32>
    %max3A = arith.constant 0.000000e+00 : f32
    %max3A_187 = vector.broadcast %max3A : f32 to vector<4000x128xf32>
    %max3A_188 = arith.maximumf %add3A_186, %max3A_187 : vector<4000x128xf32>
    %lt3A_189 = arith.constant 8 : i32
    %lt3A_190 = vector.broadcast %lt3A_189 : i32 to vector<4000x128xi32>
    %lt3A_191 = arith.cmpi slt, %select_n3A_15, %lt3A_190 : vector<4000x128xi32>
    %slice3A_192 = vector.extract_strided_slice %get3A_1 {offsets = [0, 3], sizes = [4000, 125], strides = [1, 1]} : vector<4000x128xf32> to vector<4000x125xf32>
    %slice3A_193 = vector.extract_strided_slice %get3A_1 {offsets = [0, 0], sizes = [4000, 3], strides = [1, 1]} : vector<4000x128xf32> to vector<4000x3xf32>
    %concatenate3A_194 = tpu.concatenate %slice3A_192, %slice3A_193 in 1 : vector<4000x125xf32>, vector<4000x3xf32> -> vector<4000x128xf32>
    %slice3A_195 = vector.extract_strided_slice %max3A_188 {offsets = [0, 120], sizes = [4000, 8], strides = [1, 1]} : vector<4000x128xf32> to vector<4000x8xf32>
    %slice3A_196 = vector.extract_strided_slice %max3A_188 {offsets = [0, 0], sizes = [4000, 120], strides = [1, 1]} : vector<4000x128xf32> to vector<4000x120xf32>
    %concatenate3A_197 = tpu.concatenate %slice3A_195, %slice3A_196 in 1 : vector<4000x8xf32>, vector<4000x120xf32> -> vector<4000x128xf32>
    %select_n3A_198 = arith.select %lt3A_191, %concatenate3A_194, %concatenate3A_197 : vector<4000x128xi1>, vector<4000x128xf32>
    %get3A_199 = arith.constant 0 : index
    %get3A_200 = arith.constant 0 : index
    %get3A_201 = vector.load %arg6[%get3A_199, %get3A_200] : memref<16x16xf32, #tpu.memory_space<vmem>>, vector<16x16xf32>
    %concatenate3A_202 = tpu.concatenate %get3A_201, %get3A_201, %get3A_201, %get3A_201, %get3A_201, %get3A_201, %get3A_201, %get3A_201 in 1 : vector<16x16xf32>, vector<16x16xf32>, vector<16x16xf32>, vector<16x16xf32>, vector<16x16xf32>, vector<16x16xf32>, vector<16x16xf32>, vector<16x16xf32> -> vector<16x128xf32>
    %concatenate3A_203 = tpu.concatenate %concatenate3A_202, %concatenate3A_202, %concatenate3A_202, %concatenate3A_202, %concatenate3A_202, %concatenate3A_202, %concatenate3A_202, %concatenate3A_202 in 0 : vector<16x128xf32>, vector<16x128xf32>, vector<16x128xf32>, vector<16x128xf32>, vector<16x128xf32>, vector<16x128xf32>, vector<16x128xf32>, vector<16x128xf32> -> vector<128x128xf32>
    %iota3A_204 = tpu.iota {dimensions = array<i32: 0>} : vector<128x128xi32>
    %jit3A_205 = arith.constant 16 : i32
    %div3A_206 = vector.broadcast %jit3A_205 : i32 to vector<128x128xi32>
    %div3A_207 = arith.divsi %iota3A_204, %div3A_206 : vector<128x128xi32>
    %sign3A_208 = arith.constant 0 : i32
    %sign3A_209 = vector.broadcast %sign3A_208 : i32 to vector<128x128xi32>
    %sign3A_210 = arith.cmpi sgt, %iota3A_204, %sign3A_209 : vector<128x128xi32>
    %sign3A_211 = arith.extui %sign3A_210 : vector<128x128xi1> to vector<128x128xi32>
    %sign3A_212 = arith.constant 0 : i32
    %sign3A_213 = vector.broadcast %sign3A_212 : i32 to vector<128x128xi32>
    %sign3A_214 = arith.cmpi slt, %iota3A_204, %sign3A_213 : vector<128x128xi32>
    %sign3A_215 = arith.extui %sign3A_214 : vector<128x128xi1> to vector<128x128xi32>
    %sign3A_216 = arith.subi %sign3A_211, %sign3A_215 : vector<128x128xi32>
    %sign3A_217 = arith.constant 0 : i32
    %sign3A_218 = arith.cmpi sgt, %jit3A_205, %sign3A_217 : i32
    %sign3A_219 = arith.extui %sign3A_218 : i1 to i32
    %sign3A_220 = arith.constant 0 : i32
    %sign3A_221 = arith.cmpi slt, %jit3A_205, %sign3A_220 : i32
    %sign3A_222 = arith.extui %sign3A_221 : i1 to i32
    %sign3A_223 = arith.subi %sign3A_219, %sign3A_222 : i32
    %ne3A_224 = vector.broadcast %sign3A_223 : i32 to vector<128x128xi32>
    %ne3A_225 = arith.cmpi ne, %sign3A_216, %ne3A_224 : vector<128x128xi32>
    %rem3A_226 = vector.broadcast %jit3A_205 : i32 to vector<128x128xi32>
    %rem3A_227 = arith.remsi %iota3A_204, %rem3A_226 : vector<128x128xi32>
    %ne3A_228 = arith.constant 0 : i32
    %ne3A_229 = vector.broadcast %ne3A_228 : i32 to vector<128x128xi32>
    %ne3A_230 = arith.cmpi ne, %rem3A_227, %ne3A_229 : vector<128x128xi32>
    %and3A_231 = arith.andi %ne3A_225, %ne3A_230 : vector<128x128xi1>
    %sub3A_232 = arith.constant 1 : i32
    %sub3A_233 = vector.broadcast %sub3A_232 : i32 to vector<128x128xi32>
    %sub3A_234 = arith.subi %div3A_207, %sub3A_233 : vector<128x128xi32>
    %select_n3A_235 = arith.select %and3A_231, %sub3A_234, %div3A_207 : vector<128x128xi1>, vector<128x128xi32>
    %iota3A_236 = tpu.iota {dimensions = array<i32: 1>} : vector<128x128xi32>
    %jit3A_237 = arith.constant 16 : i32
    %div3A_238 = vector.broadcast %jit3A_237 : i32 to vector<128x128xi32>
    %div3A_239 = arith.divsi %iota3A_236, %div3A_238 : vector<128x128xi32>
    %sign3A_240 = arith.constant 0 : i32
    %sign3A_241 = vector.broadcast %sign3A_240 : i32 to vector<128x128xi32>
    %sign3A_242 = arith.cmpi sgt, %iota3A_236, %sign3A_241 : vector<128x128xi32>
    %sign3A_243 = arith.extui %sign3A_242 : vector<128x128xi1> to vector<128x128xi32>
    %sign3A_244 = arith.constant 0 : i32
    %sign3A_245 = vector.broadcast %sign3A_244 : i32 to vector<128x128xi32>
    %sign3A_246 = arith.cmpi slt, %iota3A_236, %sign3A_245 : vector<128x128xi32>
    %sign3A_247 = arith.extui %sign3A_246 : vector<128x128xi1> to vector<128x128xi32>
    %sign3A_248 = arith.subi %sign3A_243, %sign3A_247 : vector<128x128xi32>
    %sign3A_249 = arith.constant 0 : i32
    %sign3A_250 = arith.cmpi sgt, %jit3A_237, %sign3A_249 : i32
    %sign3A_251 = arith.extui %sign3A_250 : i1 to i32
    %sign3A_252 = arith.constant 0 : i32
    %sign3A_253 = arith.cmpi slt, %jit3A_237, %sign3A_252 : i32
    %sign3A_254 = arith.extui %sign3A_253 : i1 to i32
    %sign3A_255 = arith.subi %sign3A_251, %sign3A_254 : i32
    %ne3A_256 = vector.broadcast %sign3A_255 : i32 to vector<128x128xi32>
    %ne3A_257 = arith.cmpi ne, %sign3A_248, %ne3A_256 : vector<128x128xi32>
    %rem3A_258 = vector.broadcast %jit3A_237 : i32 to vector<128x128xi32>
    %rem3A_259 = arith.remsi %iota3A_236, %rem3A_258 : vector<128x128xi32>
    %ne3A_260 = arith.constant 0 : i32
    %ne3A_261 = vector.broadcast %ne3A_260 : i32 to vector<128x128xi32>
    %ne3A_262 = arith.cmpi ne, %rem3A_259, %ne3A_261 : vector<128x128xi32>
    %and3A_263 = arith.andi %ne3A_257, %ne3A_262 : vector<128x128xi1>
    %sub3A_264 = arith.constant 1 : i32
    %sub3A_265 = vector.broadcast %sub3A_264 : i32 to vector<128x128xi32>
    %sub3A_266 = arith.subi %div3A_239, %sub3A_265 : vector<128x128xi32>
    %select_n3A_267 = arith.select %and3A_263, %sub3A_266, %div3A_239 : vector<128x128xi1>, vector<128x128xi32>
    %eq3A_268 = arith.cmpi eq, %select_n3A_235, %select_n3A_267 : vector<128x128xi32>
    %jit3A_269 = arith.constant 0.000000e+00 : f32
    %broadcast_in_dim3A_270 = vector.broadcast %jit3A_269 : f32 to vector<128x128xf32>
    %select_n3A_271 = arith.select %eq3A_268, %concatenate3A_203, %broadcast_in_dim3A_270 : vector<128x128xi1>, vector<128x128xf32>
    %dot_general3A_272 = arith.constant dense<0.000000e+00> : vector<4000x128xf32>
    %dot_general3A_273 = tpu.matmul %select_n3A_198, %select_n3A_271, %dot_general3A_272 {dimension_numbers = #tpu.dot_dimension_numbers<[1], [0], [0], [1], [0, 0, 1, 1], [], []>, transpose_lhs_hint = false} : vector<4000x128xf32>, vector<128x128xf32>, vector<4000x128xf32> -> vector<4000x128xf32>
    %slice3A_274 = vector.extract_strided_slice %dot_general3A_273 {offsets = [0, 112], sizes = [4000, 16], strides = [1, 1]} : vector<4000x128xf32> to vector<4000x16xf32>
    %slice3A_275 = vector.extract_strided_slice %dot_general3A_273 {offsets = [0, 0], sizes = [4000, 112], strides = [1, 1]} : vector<4000x128xf32> to vector<4000x112xf32>
    %concatenate3A_276 = tpu.concatenate %slice3A_274, %slice3A_275 in 1 : vector<4000x16xf32>, vector<4000x112xf32> -> vector<4000x128xf32>
    %max3A_277 = arith.maximumf %dot_general3A_273, %concatenate3A_276 : vector<4000x128xf32>
    %slice3A_278 = vector.extract_strided_slice %max3A_277 {offsets = [0, 96], sizes = [4000, 32], strides = [1, 1]} : vector<4000x128xf32> to vector<4000x32xf32>
    %slice3A_279 = vector.extract_strided_slice %max3A_277 {offsets = [0, 0], sizes = [4000, 96], strides = [1, 1]} : vector<4000x128xf32> to vector<4000x96xf32>
    %concatenate3A_280 = tpu.concatenate %slice3A_278, %slice3A_279 in 1 : vector<4000x32xf32>, vector<4000x96xf32> -> vector<4000x128xf32>
    %max3A_281 = arith.maximumf %max3A_277, %concatenate3A_280 : vector<4000x128xf32>
    %slice3A_282 = vector.extract_strided_slice %max3A_281 {offsets = [0, 64], sizes = [4000, 64], strides = [1, 1]} : vector<4000x128xf32> to vector<4000x64xf32>
    %slice3A_283 = vector.extract_strided_slice %max3A_281 {offsets = [0, 0], sizes = [4000, 64], strides = [1, 1]} : vector<4000x128xf32> to vector<4000x64xf32>
    %concatenate3A_284 = tpu.concatenate %slice3A_282, %slice3A_283 in 1 : vector<4000x64xf32>, vector<4000x64xf32> -> vector<4000x128xf32>
    %max3A_285 = arith.maximumf %max3A_281, %concatenate3A_284 : vector<4000x128xf32>
    %reshape3A_286 = vector.shape_cast %max3A_285 : vector<4000x128xf32> to vector<2000x2x128xf32>
    %reduce_max3A = arith.constant dense<0xFF800000> : vector<2000x128xf32>
    %reduce_max3A_287 = vector.multi_reduction <maximumf>, %reshape3A_286, %reduce_max3A [1] : vector<2000x2x128xf32> to vector<2000x128xf32>
    %broadcast_in_dim3A_288 = vector.shape_cast %reduce_max3A_287 : vector<2000x128xf32> to vector<2000x1x128xf32>
    %broadcast_in_dim3A_289 = vector.shape_cast %broadcast_in_dim3A_288 : vector<2000x1x128xf32> to vector<2000x1x128xf32>
    %broadcast_in_dim3A_290 = vector.broadcast %broadcast_in_dim3A_289 : vector<2000x1x128xf32> to vector<2000x2x128xf32>
    %reshape3A_291 = vector.shape_cast %broadcast_in_dim3A_290 : vector<2000x2x128xf32> to vector<4000x128xf32>
    %sub3A_292 = arith.subf %dot_general3A_273, %reshape3A_291 : vector<4000x128xf32>
    %exp3A = math.exp %sub3A_292 : vector<4000x128xf32>
    %slice3A_293 = vector.extract_strided_slice %exp3A {offsets = [0, 112], sizes = [4000, 16], strides = [1, 1]} : vector<4000x128xf32> to vector<4000x16xf32>
    %slice3A_294 = vector.extract_strided_slice %exp3A {offsets = [0, 0], sizes = [4000, 112], strides = [1, 1]} : vector<4000x128xf32> to vector<4000x112xf32>
    %concatenate3A_295 = tpu.concatenate %slice3A_293, %slice3A_294 in 1 : vector<4000x16xf32>, vector<4000x112xf32> -> vector<4000x128xf32>
    %add3A_296 = arith.addf %exp3A, %concatenate3A_295 : vector<4000x128xf32>
    %slice3A_297 = vector.extract_strided_slice %add3A_296 {offsets = [0, 96], sizes = [4000, 32], strides = [1, 1]} : vector<4000x128xf32> to vector<4000x32xf32>
    %slice3A_298 = vector.extract_strided_slice %add3A_296 {offsets = [0, 0], sizes = [4000, 96], strides = [1, 1]} : vector<4000x128xf32> to vector<4000x96xf32>
    %concatenate3A_299 = tpu.concatenate %slice3A_297, %slice3A_298 in 1 : vector<4000x32xf32>, vector<4000x96xf32> -> vector<4000x128xf32>
    %add3A_300 = arith.addf %add3A_296, %concatenate3A_299 : vector<4000x128xf32>
    %slice3A_301 = vector.extract_strided_slice %add3A_300 {offsets = [0, 64], sizes = [4000, 64], strides = [1, 1]} : vector<4000x128xf32> to vector<4000x64xf32>
    %slice3A_302 = vector.extract_strided_slice %add3A_300 {offsets = [0, 0], sizes = [4000, 64], strides = [1, 1]} : vector<4000x128xf32> to vector<4000x64xf32>
    %concatenate3A_303 = tpu.concatenate %slice3A_301, %slice3A_302 in 1 : vector<4000x64xf32>, vector<4000x64xf32> -> vector<4000x128xf32>
    %add3A_304 = arith.addf %add3A_300, %concatenate3A_303 : vector<4000x128xf32>
    %reshape3A_305 = vector.shape_cast %add3A_304 : vector<4000x128xf32> to vector<2000x2x128xf32>
    %reduce_sum3A = arith.constant dense<0.000000e+00> : vector<2000x128xf32>
    %reduce_sum3A_306 = vector.multi_reduction <add>, %reshape3A_305, %reduce_sum3A [1] : vector<2000x2x128xf32> to vector<2000x128xf32>
    %broadcast_in_dim3A_307 = vector.shape_cast %reduce_sum3A_306 : vector<2000x128xf32> to vector<2000x1x128xf32>
    %broadcast_in_dim3A_308 = vector.shape_cast %broadcast_in_dim3A_307 : vector<2000x1x128xf32> to vector<2000x1x128xf32>
    %broadcast_in_dim3A_309 = vector.broadcast %broadcast_in_dim3A_308 : vector<2000x1x128xf32> to vector<2000x2x128xf32>
    %reshape3A_310 = vector.shape_cast %broadcast_in_dim3A_309 : vector<2000x2x128xf32> to vector<4000x128xf32>
    %div3A_311 = arith.divf %exp3A, %reshape3A_310 : vector<4000x128xf32>
    %mul3A_312 = arith.mulf %select_n3A_198, %div3A_311 : vector<4000x128xf32>
    %slice3A_313 = vector.extract_strided_slice %mul3A_312 {offsets = [0, 112], sizes = [4000, 16], strides = [1, 1]} : vector<4000x128xf32> to vector<4000x16xf32>
    %slice3A_314 = vector.extract_strided_slice %mul3A_312 {offsets = [0, 0], sizes = [4000, 112], strides = [1, 1]} : vector<4000x128xf32> to vector<4000x112xf32>
    %concatenate3A_315 = tpu.concatenate %slice3A_313, %slice3A_314 in 1 : vector<4000x16xf32>, vector<4000x112xf32> -> vector<4000x128xf32>
    %add3A_316 = arith.addf %mul3A_312, %concatenate3A_315 : vector<4000x128xf32>
    %slice3A_317 = vector.extract_strided_slice %add3A_316 {offsets = [0, 96], sizes = [4000, 32], strides = [1, 1]} : vector<4000x128xf32> to vector<4000x32xf32>
    %slice3A_318 = vector.extract_strided_slice %add3A_316 {offsets = [0, 0], sizes = [4000, 96], strides = [1, 1]} : vector<4000x128xf32> to vector<4000x96xf32>
    %concatenate3A_319 = tpu.concatenate %slice3A_317, %slice3A_318 in 1 : vector<4000x32xf32>, vector<4000x96xf32> -> vector<4000x128xf32>
    %add3A_320 = arith.addf %add3A_316, %concatenate3A_319 : vector<4000x128xf32>
    %slice3A_321 = vector.extract_strided_slice %add3A_320 {offsets = [0, 64], sizes = [4000, 64], strides = [1, 1]} : vector<4000x128xf32> to vector<4000x64xf32>
    %slice3A_322 = vector.extract_strided_slice %add3A_320 {offsets = [0, 0], sizes = [4000, 64], strides = [1, 1]} : vector<4000x128xf32> to vector<4000x64xf32>
    %concatenate3A_323 = tpu.concatenate %slice3A_321, %slice3A_322 in 1 : vector<4000x64xf32>, vector<4000x64xf32> -> vector<4000x128xf32>
    %add3A_324 = arith.addf %add3A_320, %concatenate3A_323 : vector<4000x128xf32>
    %reshape3A_325 = vector.shape_cast %add3A_324 : vector<4000x128xf32> to vector<2000x2x128xf32>
    %reduce_sum3A_326 = arith.constant dense<0.000000e+00> : vector<2000x128xf32>
    %reduce_sum3A_327 = vector.multi_reduction <add>, %reshape3A_325, %reduce_sum3A_326 [1] : vector<2000x2x128xf32> to vector<2000x128xf32>
    %broadcast_in_dim3A_328 = vector.shape_cast %reduce_sum3A_327 : vector<2000x128xf32> to vector<2000x1x128xf32>
    %broadcast_in_dim3A_329 = vector.shape_cast %broadcast_in_dim3A_328 : vector<2000x1x128xf32> to vector<2000x1x128xf32>
    %broadcast_in_dim3A_330 = vector.broadcast %broadcast_in_dim3A_329 : vector<2000x1x128xf32> to vector<2000x2x128xf32>
    %reshape3A_331 = vector.shape_cast %broadcast_in_dim3A_330 : vector<2000x2x128xf32> to vector<4000x128xf32>
    %reshape3A_332 = vector.shape_cast %reshape3A_331 : vector<4000x128xf32> to vector<2000x2x128xf32>
    %slice3A_333 = vector.extract_strided_slice %reshape3A_332 {offsets = [0, 0, 0], sizes = [2000, 1, 16], strides = [1, 1, 1]} : vector<2000x2x128xf32> to vector<2000x1x16xf32>
    %squeeze3A = vector.shape_cast %slice3A_333 : vector<2000x1x16xf32> to vector<2000x16xf32>
    %get3A_334 = arith.constant 0 : index
    %get3A_335 = arith.constant 0 : index
    %get3A_336 = vector.load %arg7[%get3A_334, %get3A_335] : memref<16x8xf32, #tpu.memory_space<vmem>>, vector<16x8xf32>
    %dot_general3A_337 = arith.constant dense<0.000000e+00> : vector<2000x8xf32>
    %dot_general3A_338 = tpu.matmul %squeeze3A, %get3A_336, %dot_general3A_337 {dimension_numbers = #tpu.dot_dimension_numbers<[1], [0], [0], [1], [0, 0, 1, 1], [], []>, transpose_lhs_hint = false} : vector<2000x16xf32>, vector<16x8xf32>, vector<2000x8xf32> -> vector<2000x8xf32>
    %get3A_339 = arith.constant 0 : index
    %get3A_340 = arith.constant 0 : index
    %get3A_341 = vector.load %arg8[%get3A_339, %get3A_340] : memref<1x8xf32, #tpu.memory_space<vmem>>, vector<1x8xf32>
    %sqrt3A_342 = arith.constant 1.000010e+00 : f32
    %sqrt3A_343 = math.sqrt %sqrt3A_342 : f32
    %div3A_344 = arith.constant 1.000000e+00 : f32
    %div3A_345 = arith.divf %div3A_344, %sqrt3A_343 : f32
    %mul3A_346 = vector.broadcast %div3A_345 : f32 to vector<1x8xf32>
    %mul3A_347 = arith.mulf %get3A_341, %mul3A_346 : vector<1x8xf32>
    %mul3A_348 = vector.broadcast %mul3A_347 : vector<1x8xf32> to vector<2000x8xf32>
    %mul3A_349 = arith.mulf %dot_general3A_338, %mul3A_348 : vector<2000x8xf32>
    %get3A_350 = arith.constant 0 : index
    %get3A_351 = arith.constant 0 : index
    %get3A_352 = vector.load %arg9[%get3A_350, %get3A_351] : memref<1x8xf32, #tpu.memory_space<vmem>>, vector<1x8xf32>
    %add3A_353 = vector.broadcast %get3A_352 : vector<1x8xf32> to vector<2000x8xf32>
    %add3A_354 = arith.addf %mul3A_349, %add3A_353 : vector<2000x8xf32>
    %max3A_355 = arith.constant 0.000000e+00 : f32
    %max3A_356 = vector.broadcast %max3A_355 : f32 to vector<2000x8xf32>
    %max3A_357 = arith.maximumf %add3A_354, %max3A_356 : vector<2000x8xf32>
    %broadcast_in_dim3A_358 = arith.constant 0.000000e+00 : f32
    %broadcast_in_dim3A_359 = vector.broadcast %broadcast_in_dim3A_358 : f32 to vector<2000x8xf32>
    %concatenate3A_360 = tpu.concatenate %max3A_357, %broadcast_in_dim3A_359 in 1 : vector<2000x8xf32>, vector<2000x8xf32> -> vector<2000x16xf32>
    %swap3A = arith.constant 0 : index
    %swap3A_361 = arith.constant 0 : index
    %swap3A_362 = vector.load %arg13[%swap3A, %swap3A_361] : memref<2000x16xf32, #tpu.memory_space<vmem>>, vector<2000x16xf32>
    tpu.vector_store %arg13[%swap3A, %swap3A_361], %concatenate3A_360 {strides = array<i32>} : memref<2000x16xf32, #tpu.memory_space<vmem>>, vector<2000x16xf32>,
    %get3A_363 = arith.constant 0 : index
    %get3A_364 = arith.constant 0 : index
    %get3A_365 = vector.load %arg10[%get3A_363, %get3A_364] : memref<8x8xf32, #tpu.memory_space<vmem>>, vector<8x8xf32>
    %broadcast_in_dim3A_366 = arith.constant 0.000000e+00 : f32
    %broadcast_in_dim3A_367 = vector.broadcast %broadcast_in_dim3A_366 : f32 to vector<8x8xf32>
    %concatenate3A_368 = tpu.concatenate %broadcast_in_dim3A_367, %get3A_365 in 1 : vector<8x8xf32>, vector<8x8xf32> -> vector<8x16xf32>
    %broadcast_in_dim3A_369 = arith.constant 0.000000e+00 : f32
    %broadcast_in_dim3A_370 = vector.broadcast %broadcast_in_dim3A_369 : f32 to vector<8x16xf32>
    %concatenate3A_371 = tpu.concatenate %concatenate3A_368, %broadcast_in_dim3A_370 in 0 : vector<8x16xf32>, vector<8x16xf32> -> vector<16x16xf32>
    %concatenate3A_372 = tpu.concatenate %concatenate3A_371, %concatenate3A_371, %concatenate3A_371, %concatenate3A_371, %concatenate3A_371, %concatenate3A_371, %concatenate3A_371, %concatenate3A_371 in 1 : vector<16x16xf32>, vector<16x16xf32>, vector<16x16xf32>, vector<16x16xf32>, vector<16x16xf32>, vector<16x16xf32>, vector<16x16xf32>, vector<16x16xf32> -> vector<16x128xf32>
    %concatenate3A_373 = tpu.concatenate %concatenate3A_372, %concatenate3A_372, %concatenate3A_372, %concatenate3A_372, %concatenate3A_372, %concatenate3A_372, %concatenate3A_372, %concatenate3A_372 in 0 : vector<16x128xf32>, vector<16x128xf32>, vector<16x128xf32>, vector<16x128xf32>, vector<16x128xf32>, vector<16x128xf32>, vector<16x128xf32>, vector<16x128xf32> -> vector<128x128xf32>
    %iota3A_374 = tpu.iota {dimensions = array<i32: 0>} : vector<128x128xi32>
    %jit3A_375 = arith.constant 16 : i32
    %div3A_376 = vector.broadcast %jit3A_375 : i32 to vector<128x128xi32>
    %div3A_377 = arith.divsi %iota3A_374, %div3A_376 : vector<128x128xi32>
    %sign3A_378 = arith.constant 0 : i32
    %sign3A_379 = vector.broadcast %sign3A_378 : i32 to vector<128x128xi32>
    %sign3A_380 = arith.cmpi sgt, %iota3A_374, %sign3A_379 : vector<128x128xi32>
    %sign3A_381 = arith.extui %sign3A_380 : vector<128x128xi1> to vector<128x128xi32>
    %sign3A_382 = arith.constant 0 : i32
    %sign3A_383 = vector.broadcast %sign3A_382 : i32 to vector<128x128xi32>
    %sign3A_384 = arith.cmpi slt, %iota3A_374, %sign3A_383 : vector<128x128xi32>
    %sign3A_385 = arith.extui %sign3A_384 : vector<128x128xi1> to vector<128x128xi32>
    %sign3A_386 = arith.subi %sign3A_381, %sign3A_385 : vector<128x128xi32>
    %sign3A_387 = arith.constant 0 : i32
    %sign3A_388 = arith.cmpi sgt, %jit3A_375, %sign3A_387 : i32
    %sign3A_389 = arith.extui %sign3A_388 : i1 to i32
    %sign3A_390 = arith.constant 0 : i32
    %sign3A_391 = arith.cmpi slt, %jit3A_375, %sign3A_390 : i32
    %sign3A_392 = arith.extui %sign3A_391 : i1 to i32
    %sign3A_393 = arith.subi %sign3A_389, %sign3A_392 : i32
    %ne3A_394 = vector.broadcast %sign3A_393 : i32 to vector<128x128xi32>
    %ne3A_395 = arith.cmpi ne, %sign3A_386, %ne3A_394 : vector<128x128xi32>
    %rem3A_396 = vector.broadcast %jit3A_375 : i32 to vector<128x128xi32>
    %rem3A_397 = arith.remsi %iota3A_374, %rem3A_396 : vector<128x128xi32>
    %ne3A_398 = arith.constant 0 : i32
    %ne3A_399 = vector.broadcast %ne3A_398 : i32 to vector<128x128xi32>
    %ne3A_400 = arith.cmpi ne, %rem3A_397, %ne3A_399 : vector<128x128xi32>
    %and3A_401 = arith.andi %ne3A_395, %ne3A_400 : vector<128x128xi1>
    %sub3A_402 = arith.constant 1 : i32
    %sub3A_403 = vector.broadcast %sub3A_402 : i32 to vector<128x128xi32>
    %sub3A_404 = arith.subi %div3A_377, %sub3A_403 : vector<128x128xi32>
    %select_n3A_405 = arith.select %and3A_401, %sub3A_404, %div3A_377 : vector<128x128xi1>, vector<128x128xi32>
    %iota3A_406 = tpu.iota {dimensions = array<i32: 1>} : vector<128x128xi32>
    %jit3A_407 = arith.constant 16 : i32
    %div3A_408 = vector.broadcast %jit3A_407 : i32 to vector<128x128xi32>
    %div3A_409 = arith.divsi %iota3A_406, %div3A_408 : vector<128x128xi32>
    %sign3A_410 = arith.constant 0 : i32
    %sign3A_411 = vector.broadcast %sign3A_410 : i32 to vector<128x128xi32>
    %sign3A_412 = arith.cmpi sgt, %iota3A_406, %sign3A_411 : vector<128x128xi32>
    %sign3A_413 = arith.extui %sign3A_412 : vector<128x128xi1> to vector<128x128xi32>
    %sign3A_414 = arith.constant 0 : i32
    %sign3A_415 = vector.broadcast %sign3A_414 : i32 to vector<128x128xi32>
    %sign3A_416 = arith.cmpi slt, %iota3A_406, %sign3A_415 : vector<128x128xi32>
    %sign3A_417 = arith.extui %sign3A_416 : vector<128x128xi1> to vector<128x128xi32>
    %sign3A_418 = arith.subi %sign3A_413, %sign3A_417 : vector<128x128xi32>
    %sign3A_419 = arith.constant 0 : i32
    %sign3A_420 = arith.cmpi sgt, %jit3A_407, %sign3A_419 : i32
    %sign3A_421 = arith.extui %sign3A_420 : i1 to i32
    %sign3A_422 = arith.constant 0 : i32
    %sign3A_423 = arith.cmpi slt, %jit3A_407, %sign3A_422 : i32
    %sign3A_424 = arith.extui %sign3A_423 : i1 to i32
    %sign3A_425 = arith.subi %sign3A_421, %sign3A_424 : i32
    %ne3A_426 = vector.broadcast %sign3A_425 : i32 to vector<128x128xi32>
    %ne3A_427 = arith.cmpi ne, %sign3A_418, %ne3A_426 : vector<128x128xi32>
    %rem3A_428 = vector.broadcast %jit3A_407 : i32 to vector<128x128xi32>
    %rem3A_429 = arith.remsi %iota3A_406, %rem3A_428 : vector<128x128xi32>
    %ne3A_430 = arith.constant 0 : i32
    %ne3A_431 = vector.broadcast %ne3A_430 : i32 to vector<128x128xi32>
    %ne3A_432 = arith.cmpi ne, %rem3A_429, %ne3A_431 : vector<128x128xi32>
    %and3A_433 = arith.andi %ne3A_427, %ne3A_432 : vector<128x128xi1>
    %sub3A_434 = arith.constant 1 : i32
    %sub3A_435 = vector.broadcast %sub3A_434 : i32 to vector<128x128xi32>
    %sub3A_436 = arith.subi %div3A_409, %sub3A_435 : vector<128x128xi32>
    %select_n3A_437 = arith.select %and3A_433, %sub3A_436, %div3A_409 : vector<128x128xi1>, vector<128x128xi32>
    %eq3A_438 = arith.cmpi eq, %select_n3A_405, %select_n3A_437 : vector<128x128xi32>
    %jit3A_439 = arith.constant 0.000000e+00 : f32
    %broadcast_in_dim3A_440 = vector.broadcast %jit3A_439 : f32 to vector<128x128xf32>
    %select_n3A_441 = arith.select %eq3A_438, %concatenate3A_373, %broadcast_in_dim3A_440 : vector<128x128xi1>, vector<128x128xf32>
    %get3A_442 = arith.constant 0 : index
    %get3A_443 = arith.constant 0 : index
    %get3A_444 = vector.load %arg11[%get3A_442, %get3A_443] : memref<1x8xf32, #tpu.memory_space<vmem>>, vector<1x8xf32>
    %sqrt3A_445 = arith.constant 1.000010e+00 : f32
    %sqrt3A_446 = math.sqrt %sqrt3A_445 : f32
    %div3A_447 = arith.constant 1.000000e+00 : f32
    %div3A_448 = arith.divf %div3A_447, %sqrt3A_446 : f32
    %mul3A_449 = vector.broadcast %div3A_448 : f32 to vector<1x8xf32>
    %mul3A_450 = arith.mulf %get3A_444, %mul3A_449 : vector<1x8xf32>
    %broadcast_in_dim3A_451 = arith.constant 0.000000e+00 : f32
    %broadcast_in_dim3A_452 = vector.broadcast %broadcast_in_dim3A_451 : f32 to vector<1x8xf32>
    %concatenate3A_453 = tpu.concatenate %broadcast_in_dim3A_452, %mul3A_450 in 1 : vector<1x8xf32>, vector<1x8xf32> -> vector<1x16xf32>
    %broadcast_in_dim3A_454 = arith.constant 0.000000e+00 : f32
    %broadcast_in_dim3A_455 = vector.broadcast %broadcast_in_dim3A_454 : f32 to vector<15x16xf32>
    %concatenate3A_456 = tpu.concatenate %concatenate3A_453, %broadcast_in_dim3A_455 in 0 : vector<1x16xf32>, vector<15x16xf32> -> vector<16x16xf32>
    %slice3A_457 = vector.extract_strided_slice %concatenate3A_456 {offsets = [0, 0], sizes = [1, 16], strides = [1, 1]} : vector<16x16xf32> to vector<1x16xf32>
    %concatenate3A_458 = tpu.concatenate %slice3A_457, %slice3A_457, %slice3A_457, %slice3A_457, %slice3A_457, %slice3A_457, %slice3A_457, %slice3A_457 in 1 : vector<1x16xf32>, vector<1x16xf32>, vector<1x16xf32>, vector<1x16xf32>, vector<1x16xf32>, vector<1x16xf32>, vector<1x16xf32>, vector<1x16xf32> -> vector<1x128xf32>
    %get3A_459 = arith.constant 0 : index
    %get3A_460 = arith.constant 0 : index
    %get3A_461 = vector.load %arg12[%get3A_459, %get3A_460] : memref<1x8xf32, #tpu.memory_space<vmem>>, vector<1x8xf32>
    %broadcast_in_dim3A_462 = arith.constant 0.000000e+00 : f32
    %broadcast_in_dim3A_463 = vector.broadcast %broadcast_in_dim3A_462 : f32 to vector<1x8xf32>
    %concatenate3A_464 = tpu.concatenate %broadcast_in_dim3A_463, %get3A_461 in 1 : vector<1x8xf32>, vector<1x8xf32> -> vector<1x16xf32>
    %broadcast_in_dim3A_465 = arith.constant 0.000000e+00 : f32
    %broadcast_in_dim3A_466 = vector.broadcast %broadcast_in_dim3A_465 : f32 to vector<15x16xf32>
    %concatenate3A_467 = tpu.concatenate %concatenate3A_464, %broadcast_in_dim3A_466 in 0 : vector<1x16xf32>, vector<15x16xf32> -> vector<16x16xf32>
    %slice3A_468 = vector.extract_strided_slice %concatenate3A_467 {offsets = [0, 0], sizes = [1, 16], strides = [1, 1]} : vector<16x16xf32> to vector<1x16xf32>
    %concatenate3A_469 = tpu.concatenate %slice3A_468, %slice3A_468, %slice3A_468, %slice3A_468, %slice3A_468, %slice3A_468, %slice3A_468, %slice3A_468 in 1 : vector<1x16xf32>, vector<1x16xf32>, vector<1x16xf32>, vector<1x16xf32>, vector<1x16xf32>, vector<1x16xf32>, vector<1x16xf32>, vector<1x16xf32> -> vector<1x128xf32>
    %dot_general3A_470 = arith.constant dense<0.000000e+00> : vector<4000x128xf32>
    %dot_general3A_471 = tpu.matmul %max3A_188, %select_n3A_441, %dot_general3A_470 {dimension_numbers = #tpu.dot_dimension_numbers<[1], [0], [0], [1], [0, 0, 1, 1], [], []>, transpose_lhs_hint = false} : vector<4000x128xf32>, vector<128x128xf32>, vector<4000x128xf32> -> vector<4000x128xf32>
    %mul3A_472 = vector.broadcast %concatenate3A_458 : vector<1x128xf32> to vector<4000x128xf32>
    %mul3A_473 = arith.mulf %dot_general3A_471, %mul3A_472 : vector<4000x128xf32>
    %add3A_474 = vector.broadcast %concatenate3A_469 : vector<1x128xf32> to vector<4000x128xf32>
    %add3A_475 = arith.addf %mul3A_473, %add3A_474 : vector<4000x128xf32>
    %max3A_476 = arith.constant 0.000000e+00 : f32
    %max3A_477 = vector.broadcast %max3A_476 : f32 to vector<4000x128xf32>
    %max3A_478 = arith.maximumf %add3A_475, %max3A_477 : vector<4000x128xf32>
    %swap3A_479 = arith.constant 0 : index
    %swap3A_480 = arith.constant 0 : index
    %swap3A_481 = vector.load %arg14[%swap3A_479, %swap3A_480] : memref<4000x128xf32, #tpu.memory_space<vmem>>, vector<4000x128xf32>
    tpu.vector_store %arg14[%swap3A_479, %swap3A_480], %max3A_478 {strides = array<i32>} : memref<4000x128xf32, #tpu.memory_space<vmem>>, vector<4000x128xf32>,
    return
  }
  func.func @transform_0(%arg0: i32) -> (i32, i32) {
    %c0_i32 = arith.constant 0 : i32
    %c0_i32_0 = arith.constant 0 : i32
    return %arg0, %c0_i32 : i32, i32
  }
  func.func @transform_1(%arg0: i32) -> (i32, i32) {
    %c0_i32 = arith.constant 0 : i32
    %c0_i32_0 = arith.constant 0 : i32
    return %arg0, %c0_i32 : i32, i32
  }
  func.func @transform_2(%arg0: i32) -> (i32, i32) {
    %c0_i32 = arith.constant 0 : i32
    %c0_i32_0 = arith.constant 0 : i32
    %c0_i32_1 = arith.constant 0 : i32
    return %c0_i32, %c0_i32_0 : i32, i32
  }
  func.func @transform_3(%arg0: i32) -> (i32, i32) {
    %c0_i32 = arith.constant 0 : i32
    %c0_i32_0 = arith.constant 0 : i32
    %c0_i32_1 = arith.constant 0 : i32
    return %c0_i32, %c0_i32_0 : i32, i32
  }
  func.func @transform_4(%arg0: i32) -> (i32, i32) {
    %c0_i32 = arith.constant 0 : i32
    %c0_i32_0 = arith.constant 0 : i32
    %c0_i32_1 = arith.constant 0 : i32
    return %c0_i32, %c0_i32_0 : i32, i32
  }
  func.func @transform_5(%arg0: i32) -> (i32, i32) {
    %c0_i32 = arith.constant 0 : i32
    %c0_i32_0 = arith.constant 0 : i32
    %c0_i32_1 = arith.constant 0 : i32
    return %c0_i32, %c0_i32_0 : i32, i32
  }
  func.func @transform_6(%arg0: i32) -> (i32, i32) {
    %c0_i32 = arith.constant 0 : i32
    %c0_i32_0 = arith.constant 0 : i32
    %c0_i32_1 = arith.constant 0 : i32
    return %c0_i32, %c0_i32_0 : i32, i32
  }
  func.func @transform_7(%arg0: i32) -> (i32, i32) {
    %c0_i32 = arith.constant 0 : i32
    %c0_i32_0 = arith.constant 0 : i32
    %c0_i32_1 = arith.constant 0 : i32
    return %c0_i32, %c0_i32_0 : i32, i32
  }
  func.func @transform_8(%arg0: i32) -> (i32, i32) {
    %c0_i32 = arith.constant 0 : i32
    %c0_i32_0 = arith.constant 0 : i32
    %c0_i32_1 = arith.constant 0 : i32
    return %c0_i32, %c0_i32_0 : i32, i32
  }
  func.func @transform_9(%arg0: i32) -> (i32, i32) {
    %c0_i32 = arith.constant 0 : i32
    %c0_i32_0 = arith.constant 0 : i32
    %c0_i32_1 = arith.constant 0 : i32
    return %c0_i32, %c0_i32_0 : i32, i32
  }
  func.func @transform_10(%arg0: i32) -> (i32, i32) {
    %c0_i32 = arith.constant 0 : i32
    %c0_i32_0 = arith.constant 0 : i32
    %c0_i32_1 = arith.constant 0 : i32
    return %c0_i32, %c0_i32_0 : i32, i32
  }
  func.func @transform_11(%arg0: i32) -> (i32, i32) {
    %c0_i32 = arith.constant 0 : i32
    %c0_i32_0 = arith.constant 0 : i32
    %c0_i32_1 = arith.constant 0 : i32
    return %c0_i32, %c0_i32_0 : i32, i32
  }
  func.func @transform_12(%arg0: i32) -> (i32, i32) {
    %c0_i32 = arith.constant 0 : i32
    %c0_i32_0 = arith.constant 0 : i32
    return %arg0, %c0_i32 : i32, i32
  }
  func.func @transform_13(%arg0: i32) -> (i32, i32) {
    %c0_i32 = arith.constant 0 : i32
    %c0_i32_0 = arith.constant 0 : i32
    return %arg0, %c0_i32 : i32, i32
  }
}

module attributes {stable_mosaic.version = 14 : i64} {
  func.func @_ke_body(%arg0: i32, %arg1: memref<4000x128xf32, #tpu.memory_space<vmem>>, %arg2: memref<4000x128xf32, #tpu.memory_space<vmem>>, %arg3: memref<2000x8xf32, #tpu.memory_space<vmem>>, %arg4: memref<16x16xf32, #tpu.memory_space<vmem>>, %arg5: memref<16x16xf32, #tpu.memory_space<vmem>>, %arg6: memref<1x16xf32, #tpu.memory_space<vmem>>, %arg7: memref<1x16xf32, #tpu.memory_space<vmem>>, %arg8: memref<16x32xf32, #tpu.memory_space<vmem>>, %arg9: memref<1x32xf32, #tpu.memory_space<vmem>>, %arg10: memref<1x32xf32, #tpu.memory_space<vmem>>, %arg11: memref<8x32xf32, #tpu.memory_space<vmem>>, %arg12: memref<1x32xf32, #tpu.memory_space<vmem>>, %arg13: memref<1x32xf32, #tpu.memory_space<vmem>>, %arg14: memref<2000x32xf32, #tpu.memory_space<vmem>>) attributes {dimension_semantics = [#tpu.dimension_semantics<arbitrary>], iteration_bounds = array<i64: 50>, scalar_prefetch = 0 : i64, scratch_operands = 0 : i64, tpu.core_type = #tpu.core_type<tc>, window_params = [{transform_indices = @transform_0, window_bounds = array<i64: 4000, 128>}, {transform_indices = @transform_1, window_bounds = array<i64: 4000, 128>}, {transform_indices = @transform_2, window_bounds = array<i64: 2000, 8>}, {pipeline_mode = #tpu.pipeline_mode<synchronous>, transform_indices = @transform_3, window_bounds = array<i64: 16, 16>}, {pipeline_mode = #tpu.pipeline_mode<synchronous>, transform_indices = @transform_4, window_bounds = array<i64: 16, 16>}, {pipeline_mode = #tpu.pipeline_mode<synchronous>, transform_indices = @transform_5, window_bounds = array<i64: 1, 16>}, {pipeline_mode = #tpu.pipeline_mode<synchronous>, transform_indices = @transform_6, window_bounds = array<i64: 1, 16>}, {pipeline_mode = #tpu.pipeline_mode<synchronous>, transform_indices = @transform_7, window_bounds = array<i64: 16, 32>}, {pipeline_mode = #tpu.pipeline_mode<synchronous>, transform_indices = @transform_8, window_bounds = array<i64: 1, 32>}, {pipeline_mode = #tpu.pipeline_mode<synchronous>, transform_indices = @transform_9, window_bounds = array<i64: 1, 32>}, {pipeline_mode = #tpu.pipeline_mode<synchronous>, transform_indices = @transform_10, window_bounds = array<i64: 8, 32>}, {pipeline_mode = #tpu.pipeline_mode<synchronous>, transform_indices = @transform_11, window_bounds = array<i64: 1, 32>}, {pipeline_mode = #tpu.pipeline_mode<synchronous>, transform_indices = @transform_12, window_bounds = array<i64: 1, 32>}, {transform_indices = @transform_13, window_bounds = array<i64: 2000, 32>}]} {
    %iota3A = tpu.iota {dimensions = array<i32: 1>} : vector<4000x128xi32>
    %jit3A = arith.constant 16 : i32
    %eq3A = arith.constant 0 : i32
    %eq3A_0 = arith.cmpi eq, %jit3A, %eq3A : i32
    %jit3A_1 = arith.constant 1 : i32
    %select_n3A = arith.select %eq3A_0, %jit3A_1, %jit3A : i32
    %rem3A = vector.broadcast %select_n3A : i32 to vector<4000x128xi32>
    %rem3A_2 = arith.remsi %iota3A, %rem3A : vector<4000x128xi32>
    %ne3A = arith.constant 0 : i32
    %ne3A_3 = vector.broadcast %ne3A : i32 to vector<4000x128xi32>
    %ne3A_4 = arith.cmpi ne, %rem3A_2, %ne3A_3 : vector<4000x128xi32>
    %lt3A = arith.constant 0 : i32
    %lt3A_5 = vector.broadcast %lt3A : i32 to vector<4000x128xi32>
    %lt3A_6 = arith.cmpi slt, %rem3A_2, %lt3A_5 : vector<4000x128xi32>
    %lt3A_7 = arith.constant 0 : i32
    %lt3A_8 = arith.cmpi slt, %select_n3A, %lt3A_7 : i32
    %ne3A_9 = vector.broadcast %lt3A_8 : i1 to vector<4000x128xi1>
    %ne3A_10 = vector.broadcast %ne3A_9 : vector<4000x128xi1> to vector<4000x128xi1>
    %ne3A_11 = arith.xori %lt3A_6, %ne3A_10 : vector<4000x128xi1>
    %and3A = arith.andi %ne3A_11, %ne3A_4 : vector<4000x128xi1>
    %add3A = vector.broadcast %select_n3A : i32 to vector<4000x128xi32>
    %add3A_12 = arith.addi %rem3A_2, %add3A : vector<4000x128xi32>
    %select_n3A_13 = arith.select %and3A, %add3A_12, %rem3A_2 : vector<4000x128xi1>, vector<4000x128xi32>
    %lt3A_14 = arith.constant 8 : i32
    %lt3A_15 = vector.broadcast %lt3A_14 : i32 to vector<4000x128xi32>
    %lt3A_16 = arith.cmpi slt, %select_n3A_13, %lt3A_15 : vector<4000x128xi32>
    %get3A = arith.constant 0 : index
    %get3A_17 = arith.constant 0 : index
    %get3A_18 = vector.load %arg1[%get3A, %get3A_17] : memref<4000x128xf32, #tpu.memory_space<vmem>>, vector<4000x128xf32>
    %get3A_19 = arith.constant 0 : index
    %get3A_20 = arith.constant 0 : index
    %get3A_21 = vector.load %arg2[%get3A_19, %get3A_20] : memref<4000x128xf32, #tpu.memory_space<vmem>>, vector<4000x128xf32>
    %select_n3A_22 = arith.select %lt3A_16, %get3A_18, %get3A_21 : vector<4000x128xi1>, vector<4000x128xf32>
    %get3A_23 = arith.constant 0 : index
    %get3A_24 = arith.constant 0 : index
    %get3A_25 = vector.load %arg4[%get3A_23, %get3A_24] : memref<16x16xf32, #tpu.memory_space<vmem>>, vector<16x16xf32>
    %concatenate3A = tpu.concatenate %get3A_25, %get3A_25, %get3A_25, %get3A_25, %get3A_25, %get3A_25, %get3A_25, %get3A_25 in 1 : vector<16x16xf32>, vector<16x16xf32>, vector<16x16xf32>, vector<16x16xf32>, vector<16x16xf32>, vector<16x16xf32>, vector<16x16xf32>, vector<16x16xf32> -> vector<16x128xf32>
    %concatenate3A_26 = tpu.concatenate %concatenate3A, %concatenate3A, %concatenate3A, %concatenate3A, %concatenate3A, %concatenate3A, %concatenate3A, %concatenate3A in 0 : vector<16x128xf32>, vector<16x128xf32>, vector<16x128xf32>, vector<16x128xf32>, vector<16x128xf32>, vector<16x128xf32>, vector<16x128xf32>, vector<16x128xf32> -> vector<128x128xf32>
    %iota3A_27 = tpu.iota {dimensions = array<i32: 0>} : vector<128x128xi32>
    %jit3A_28 = arith.constant 16 : i32
    %div3A = vector.broadcast %jit3A_28 : i32 to vector<128x128xi32>
    %div3A_29 = arith.divsi %iota3A_27, %div3A : vector<128x128xi32>
    %sign3A = arith.constant 0 : i32
    %sign3A_30 = vector.broadcast %sign3A : i32 to vector<128x128xi32>
    %sign3A_31 = arith.cmpi sgt, %iota3A_27, %sign3A_30 : vector<128x128xi32>
    %sign3A_32 = arith.extui %sign3A_31 : vector<128x128xi1> to vector<128x128xi32>
    %sign3A_33 = arith.constant 0 : i32
    %sign3A_34 = vector.broadcast %sign3A_33 : i32 to vector<128x128xi32>
    %sign3A_35 = arith.cmpi slt, %iota3A_27, %sign3A_34 : vector<128x128xi32>
    %sign3A_36 = arith.extui %sign3A_35 : vector<128x128xi1> to vector<128x128xi32>
    %sign3A_37 = arith.subi %sign3A_32, %sign3A_36 : vector<128x128xi32>
    %sign3A_38 = arith.constant 0 : i32
    %sign3A_39 = arith.cmpi sgt, %jit3A_28, %sign3A_38 : i32
    %sign3A_40 = arith.extui %sign3A_39 : i1 to i32
    %sign3A_41 = arith.constant 0 : i32
    %sign3A_42 = arith.cmpi slt, %jit3A_28, %sign3A_41 : i32
    %sign3A_43 = arith.extui %sign3A_42 : i1 to i32
    %sign3A_44 = arith.subi %sign3A_40, %sign3A_43 : i32
    %ne3A_45 = vector.broadcast %sign3A_44 : i32 to vector<128x128xi32>
    %ne3A_46 = arith.cmpi ne, %sign3A_37, %ne3A_45 : vector<128x128xi32>
    %rem3A_47 = vector.broadcast %jit3A_28 : i32 to vector<128x128xi32>
    %rem3A_48 = arith.remsi %iota3A_27, %rem3A_47 : vector<128x128xi32>
    %ne3A_49 = arith.constant 0 : i32
    %ne3A_50 = vector.broadcast %ne3A_49 : i32 to vector<128x128xi32>
    %ne3A_51 = arith.cmpi ne, %rem3A_48, %ne3A_50 : vector<128x128xi32>
    %and3A_52 = arith.andi %ne3A_46, %ne3A_51 : vector<128x128xi1>
    %sub3A = arith.constant 1 : i32
    %sub3A_53 = vector.broadcast %sub3A : i32 to vector<128x128xi32>
    %sub3A_54 = arith.subi %div3A_29, %sub3A_53 : vector<128x128xi32>
    %select_n3A_55 = arith.select %and3A_52, %sub3A_54, %div3A_29 : vector<128x128xi1>, vector<128x128xi32>
    %iota3A_56 = tpu.iota {dimensions = array<i32: 1>} : vector<128x128xi32>
    %jit3A_57 = arith.constant 16 : i32
    %div3A_58 = vector.broadcast %jit3A_57 : i32 to vector<128x128xi32>
    %div3A_59 = arith.divsi %iota3A_56, %div3A_58 : vector<128x128xi32>
    %sign3A_60 = arith.constant 0 : i32
    %sign3A_61 = vector.broadcast %sign3A_60 : i32 to vector<128x128xi32>
    %sign3A_62 = arith.cmpi sgt, %iota3A_56, %sign3A_61 : vector<128x128xi32>
    %sign3A_63 = arith.extui %sign3A_62 : vector<128x128xi1> to vector<128x128xi32>
    %sign3A_64 = arith.constant 0 : i32
    %sign3A_65 = vector.broadcast %sign3A_64 : i32 to vector<128x128xi32>
    %sign3A_66 = arith.cmpi slt, %iota3A_56, %sign3A_65 : vector<128x128xi32>
    %sign3A_67 = arith.extui %sign3A_66 : vector<128x128xi1> to vector<128x128xi32>
    %sign3A_68 = arith.subi %sign3A_63, %sign3A_67 : vector<128x128xi32>
    %sign3A_69 = arith.constant 0 : i32
    %sign3A_70 = arith.cmpi sgt, %jit3A_57, %sign3A_69 : i32
    %sign3A_71 = arith.extui %sign3A_70 : i1 to i32
    %sign3A_72 = arith.constant 0 : i32
    %sign3A_73 = arith.cmpi slt, %jit3A_57, %sign3A_72 : i32
    %sign3A_74 = arith.extui %sign3A_73 : i1 to i32
    %sign3A_75 = arith.subi %sign3A_71, %sign3A_74 : i32
    %ne3A_76 = vector.broadcast %sign3A_75 : i32 to vector<128x128xi32>
    %ne3A_77 = arith.cmpi ne, %sign3A_68, %ne3A_76 : vector<128x128xi32>
    %rem3A_78 = vector.broadcast %jit3A_57 : i32 to vector<128x128xi32>
    %rem3A_79 = arith.remsi %iota3A_56, %rem3A_78 : vector<128x128xi32>
    %ne3A_80 = arith.constant 0 : i32
    %ne3A_81 = vector.broadcast %ne3A_80 : i32 to vector<128x128xi32>
    %ne3A_82 = arith.cmpi ne, %rem3A_79, %ne3A_81 : vector<128x128xi32>
    %and3A_83 = arith.andi %ne3A_77, %ne3A_82 : vector<128x128xi1>
    %sub3A_84 = arith.constant 1 : i32
    %sub3A_85 = vector.broadcast %sub3A_84 : i32 to vector<128x128xi32>
    %sub3A_86 = arith.subi %div3A_59, %sub3A_85 : vector<128x128xi32>
    %select_n3A_87 = arith.select %and3A_83, %sub3A_86, %div3A_59 : vector<128x128xi1>, vector<128x128xi32>
    %eq3A_88 = arith.cmpi eq, %select_n3A_55, %select_n3A_87 : vector<128x128xi32>
    %jit3A_89 = arith.constant 0.000000e+00 : f32
    %broadcast_in_dim3A = vector.broadcast %jit3A_89 : f32 to vector<128x128xf32>
    %select_n3A_90 = arith.select %eq3A_88, %concatenate3A_26, %broadcast_in_dim3A : vector<128x128xi1>, vector<128x128xf32>
    %dot_general3A = arith.constant dense<0.000000e+00> : vector<4000x128xf32>
    %dot_general3A_91 = tpu.matmul %select_n3A_22, %select_n3A_90, %dot_general3A {dimension_numbers = #tpu.dot_dimension_numbers<[1], [0], [0], [1], [0, 0, 1, 1], [], []>, transpose_lhs_hint = false} : vector<4000x128xf32>, vector<128x128xf32>, vector<4000x128xf32> -> vector<4000x128xf32>
    %slice3A = vector.extract_strided_slice %dot_general3A_91 {offsets = [0, 112], sizes = [4000, 16], strides = [1, 1]} : vector<4000x128xf32> to vector<4000x16xf32>
    %slice3A_92 = vector.extract_strided_slice %dot_general3A_91 {offsets = [0, 0], sizes = [4000, 112], strides = [1, 1]} : vector<4000x128xf32> to vector<4000x112xf32>
    %concatenate3A_93 = tpu.concatenate %slice3A, %slice3A_92 in 1 : vector<4000x16xf32>, vector<4000x112xf32> -> vector<4000x128xf32>
    %max3A = arith.maximumf %dot_general3A_91, %concatenate3A_93 : vector<4000x128xf32>
    %slice3A_94 = vector.extract_strided_slice %max3A {offsets = [0, 96], sizes = [4000, 32], strides = [1, 1]} : vector<4000x128xf32> to vector<4000x32xf32>
    %slice3A_95 = vector.extract_strided_slice %max3A {offsets = [0, 0], sizes = [4000, 96], strides = [1, 1]} : vector<4000x128xf32> to vector<4000x96xf32>
    %concatenate3A_96 = tpu.concatenate %slice3A_94, %slice3A_95 in 1 : vector<4000x32xf32>, vector<4000x96xf32> -> vector<4000x128xf32>
    %max3A_97 = arith.maximumf %max3A, %concatenate3A_96 : vector<4000x128xf32>
    %slice3A_98 = vector.extract_strided_slice %max3A_97 {offsets = [0, 64], sizes = [4000, 64], strides = [1, 1]} : vector<4000x128xf32> to vector<4000x64xf32>
    %slice3A_99 = vector.extract_strided_slice %max3A_97 {offsets = [0, 0], sizes = [4000, 64], strides = [1, 1]} : vector<4000x128xf32> to vector<4000x64xf32>
    %concatenate3A_100 = tpu.concatenate %slice3A_98, %slice3A_99 in 1 : vector<4000x64xf32>, vector<4000x64xf32> -> vector<4000x128xf32>
    %max3A_101 = arith.maximumf %max3A_97, %concatenate3A_100 : vector<4000x128xf32>
    %reshape3A = vector.shape_cast %max3A_101 : vector<4000x128xf32> to vector<2000x2x128xf32>
    %reduce_max3A = arith.constant dense<0xFF800000> : vector<2000x128xf32>
    %reduce_max3A_102 = vector.multi_reduction <maximumf>, %reshape3A, %reduce_max3A [1] : vector<2000x2x128xf32> to vector<2000x128xf32>
    %broadcast_in_dim3A_103 = vector.shape_cast %reduce_max3A_102 : vector<2000x128xf32> to vector<2000x1x128xf32>
    %broadcast_in_dim3A_104 = vector.shape_cast %broadcast_in_dim3A_103 : vector<2000x1x128xf32> to vector<2000x1x128xf32>
    %broadcast_in_dim3A_105 = vector.broadcast %broadcast_in_dim3A_104 : vector<2000x1x128xf32> to vector<2000x2x128xf32>
    %reshape3A_106 = vector.shape_cast %broadcast_in_dim3A_105 : vector<2000x2x128xf32> to vector<4000x128xf32>
    %sub3A_107 = arith.subf %dot_general3A_91, %reshape3A_106 : vector<4000x128xf32>
    %exp3A = math.exp %sub3A_107 : vector<4000x128xf32>
    %slice3A_108 = vector.extract_strided_slice %exp3A {offsets = [0, 112], sizes = [4000, 16], strides = [1, 1]} : vector<4000x128xf32> to vector<4000x16xf32>
    %slice3A_109 = vector.extract_strided_slice %exp3A {offsets = [0, 0], sizes = [4000, 112], strides = [1, 1]} : vector<4000x128xf32> to vector<4000x112xf32>
    %concatenate3A_110 = tpu.concatenate %slice3A_108, %slice3A_109 in 1 : vector<4000x16xf32>, vector<4000x112xf32> -> vector<4000x128xf32>
    %add3A_111 = arith.addf %exp3A, %concatenate3A_110 : vector<4000x128xf32>
    %slice3A_112 = vector.extract_strided_slice %add3A_111 {offsets = [0, 96], sizes = [4000, 32], strides = [1, 1]} : vector<4000x128xf32> to vector<4000x32xf32>
    %slice3A_113 = vector.extract_strided_slice %add3A_111 {offsets = [0, 0], sizes = [4000, 96], strides = [1, 1]} : vector<4000x128xf32> to vector<4000x96xf32>
    %concatenate3A_114 = tpu.concatenate %slice3A_112, %slice3A_113 in 1 : vector<4000x32xf32>, vector<4000x96xf32> -> vector<4000x128xf32>
    %add3A_115 = arith.addf %add3A_111, %concatenate3A_114 : vector<4000x128xf32>
    %slice3A_116 = vector.extract_strided_slice %add3A_115 {offsets = [0, 64], sizes = [4000, 64], strides = [1, 1]} : vector<4000x128xf32> to vector<4000x64xf32>
    %slice3A_117 = vector.extract_strided_slice %add3A_115 {offsets = [0, 0], sizes = [4000, 64], strides = [1, 1]} : vector<4000x128xf32> to vector<4000x64xf32>
    %concatenate3A_118 = tpu.concatenate %slice3A_116, %slice3A_117 in 1 : vector<4000x64xf32>, vector<4000x64xf32> -> vector<4000x128xf32>
    %add3A_119 = arith.addf %add3A_115, %concatenate3A_118 : vector<4000x128xf32>
    %reshape3A_120 = vector.shape_cast %add3A_119 : vector<4000x128xf32> to vector<2000x2x128xf32>
    %reduce_sum3A = arith.constant dense<0.000000e+00> : vector<2000x128xf32>
    %reduce_sum3A_121 = vector.multi_reduction <add>, %reshape3A_120, %reduce_sum3A [1] : vector<2000x2x128xf32> to vector<2000x128xf32>
    %broadcast_in_dim3A_122 = vector.shape_cast %reduce_sum3A_121 : vector<2000x128xf32> to vector<2000x1x128xf32>
    %broadcast_in_dim3A_123 = vector.shape_cast %broadcast_in_dim3A_122 : vector<2000x1x128xf32> to vector<2000x1x128xf32>
    %broadcast_in_dim3A_124 = vector.broadcast %broadcast_in_dim3A_123 : vector<2000x1x128xf32> to vector<2000x2x128xf32>
    %reshape3A_125 = vector.shape_cast %broadcast_in_dim3A_124 : vector<2000x2x128xf32> to vector<4000x128xf32>
    %div3A_126 = arith.divf %exp3A, %reshape3A_125 : vector<4000x128xf32>
    %mul3A = arith.mulf %select_n3A_22, %div3A_126 : vector<4000x128xf32>
    %slice3A_127 = vector.extract_strided_slice %mul3A {offsets = [0, 112], sizes = [4000, 16], strides = [1, 1]} : vector<4000x128xf32> to vector<4000x16xf32>
    %slice3A_128 = vector.extract_strided_slice %mul3A {offsets = [0, 0], sizes = [4000, 112], strides = [1, 1]} : vector<4000x128xf32> to vector<4000x112xf32>
    %concatenate3A_129 = tpu.concatenate %slice3A_127, %slice3A_128 in 1 : vector<4000x16xf32>, vector<4000x112xf32> -> vector<4000x128xf32>
    %add3A_130 = arith.addf %mul3A, %concatenate3A_129 : vector<4000x128xf32>
    %slice3A_131 = vector.extract_strided_slice %add3A_130 {offsets = [0, 96], sizes = [4000, 32], strides = [1, 1]} : vector<4000x128xf32> to vector<4000x32xf32>
    %slice3A_132 = vector.extract_strided_slice %add3A_130 {offsets = [0, 0], sizes = [4000, 96], strides = [1, 1]} : vector<4000x128xf32> to vector<4000x96xf32>
    %concatenate3A_133 = tpu.concatenate %slice3A_131, %slice3A_132 in 1 : vector<4000x32xf32>, vector<4000x96xf32> -> vector<4000x128xf32>
    %add3A_134 = arith.addf %add3A_130, %concatenate3A_133 : vector<4000x128xf32>
    %slice3A_135 = vector.extract_strided_slice %add3A_134 {offsets = [0, 64], sizes = [4000, 64], strides = [1, 1]} : vector<4000x128xf32> to vector<4000x64xf32>
    %slice3A_136 = vector.extract_strided_slice %add3A_134 {offsets = [0, 0], sizes = [4000, 64], strides = [1, 1]} : vector<4000x128xf32> to vector<4000x64xf32>
    %concatenate3A_137 = tpu.concatenate %slice3A_135, %slice3A_136 in 1 : vector<4000x64xf32>, vector<4000x64xf32> -> vector<4000x128xf32>
    %add3A_138 = arith.addf %add3A_134, %concatenate3A_137 : vector<4000x128xf32>
    %reshape3A_139 = vector.shape_cast %add3A_138 : vector<4000x128xf32> to vector<2000x2x128xf32>
    %reduce_sum3A_140 = arith.constant dense<0.000000e+00> : vector<2000x128xf32>
    %reduce_sum3A_141 = vector.multi_reduction <add>, %reshape3A_139, %reduce_sum3A_140 [1] : vector<2000x2x128xf32> to vector<2000x128xf32>
    %broadcast_in_dim3A_142 = vector.shape_cast %reduce_sum3A_141 : vector<2000x128xf32> to vector<2000x1x128xf32>
    %broadcast_in_dim3A_143 = vector.shape_cast %broadcast_in_dim3A_142 : vector<2000x1x128xf32> to vector<2000x1x128xf32>
    %broadcast_in_dim3A_144 = vector.broadcast %broadcast_in_dim3A_143 : vector<2000x1x128xf32> to vector<2000x2x128xf32>
    %reshape3A_145 = vector.shape_cast %broadcast_in_dim3A_144 : vector<2000x2x128xf32> to vector<4000x128xf32>
    %reshape3A_146 = vector.shape_cast %reshape3A_145 : vector<4000x128xf32> to vector<2000x2x128xf32>
    %slice3A_147 = vector.extract_strided_slice %reshape3A_146 {offsets = [0, 0, 0], sizes = [2000, 1, 16], strides = [1, 1, 1]} : vector<2000x2x128xf32> to vector<2000x1x16xf32>
    %squeeze3A = vector.shape_cast %slice3A_147 : vector<2000x1x16xf32> to vector<2000x16xf32>
    %get3A_148 = arith.constant 0 : index
    %get3A_149 = arith.constant 0 : index
    %get3A_150 = vector.load %arg5[%get3A_148, %get3A_149] : memref<16x16xf32, #tpu.memory_space<vmem>>, vector<16x16xf32>
    %dot_general3A_151 = arith.constant dense<0.000000e+00> : vector<2000x16xf32>
    %dot_general3A_152 = tpu.matmul %squeeze3A, %get3A_150, %dot_general3A_151 {dimension_numbers = #tpu.dot_dimension_numbers<[1], [0], [0], [1], [0, 0, 1, 1], [], []>, transpose_lhs_hint = false} : vector<2000x16xf32>, vector<16x16xf32>, vector<2000x16xf32> -> vector<2000x16xf32>
    %get3A_153 = arith.constant 0 : index
    %get3A_154 = arith.constant 0 : index
    %get3A_155 = vector.load %arg6[%get3A_153, %get3A_154] : memref<1x16xf32, #tpu.memory_space<vmem>>, vector<1x16xf32>
    %sqrt3A = arith.constant 1.000010e+00 : f32
    %sqrt3A_156 = math.sqrt %sqrt3A : f32
    %div3A_157 = arith.constant 1.000000e+00 : f32
    %div3A_158 = arith.divf %div3A_157, %sqrt3A_156 : f32
    %mul3A_159 = vector.broadcast %div3A_158 : f32 to vector<1x16xf32>
    %mul3A_160 = arith.mulf %get3A_155, %mul3A_159 : vector<1x16xf32>
    %mul3A_161 = vector.broadcast %mul3A_160 : vector<1x16xf32> to vector<2000x16xf32>
    %mul3A_162 = arith.mulf %dot_general3A_152, %mul3A_161 : vector<2000x16xf32>
    %get3A_163 = arith.constant 0 : index
    %get3A_164 = arith.constant 0 : index
    %get3A_165 = vector.load %arg7[%get3A_163, %get3A_164] : memref<1x16xf32, #tpu.memory_space<vmem>>, vector<1x16xf32>
    %add3A_166 = vector.broadcast %get3A_165 : vector<1x16xf32> to vector<2000x16xf32>
    %add3A_167 = arith.addf %mul3A_162, %add3A_166 : vector<2000x16xf32>
    %max3A_168 = arith.constant 0.000000e+00 : f32
    %max3A_169 = vector.broadcast %max3A_168 : f32 to vector<2000x16xf32>
    %max3A_170 = arith.maximumf %add3A_167, %max3A_169 : vector<2000x16xf32>
    %get3A_171 = arith.constant 0 : index
    %get3A_172 = arith.constant 0 : index
    %get3A_173 = vector.load %arg8[%get3A_171, %get3A_172] : memref<16x32xf32, #tpu.memory_space<vmem>>, vector<16x32xf32>
    %dot_general3A_174 = arith.constant dense<0.000000e+00> : vector<2000x32xf32>
    %dot_general3A_175 = tpu.matmul %max3A_170, %get3A_173, %dot_general3A_174 {dimension_numbers = #tpu.dot_dimension_numbers<[1], [0], [0], [1], [0, 0, 1, 1], [], []>, transpose_lhs_hint = false} : vector<2000x16xf32>, vector<16x32xf32>, vector<2000x32xf32> -> vector<2000x32xf32>
    %get3A_176 = arith.constant 0 : index
    %get3A_177 = arith.constant 0 : index
    %get3A_178 = vector.load %arg9[%get3A_176, %get3A_177] : memref<1x32xf32, #tpu.memory_space<vmem>>, vector<1x32xf32>
    %sqrt3A_179 = arith.constant 1.000010e+00 : f32
    %sqrt3A_180 = math.sqrt %sqrt3A_179 : f32
    %div3A_181 = arith.constant 1.000000e+00 : f32
    %div3A_182 = arith.divf %div3A_181, %sqrt3A_180 : f32
    %mul3A_183 = vector.broadcast %div3A_182 : f32 to vector<1x32xf32>
    %mul3A_184 = arith.mulf %get3A_178, %mul3A_183 : vector<1x32xf32>
    %mul3A_185 = vector.broadcast %mul3A_184 : vector<1x32xf32> to vector<2000x32xf32>
    %mul3A_186 = arith.mulf %dot_general3A_175, %mul3A_185 : vector<2000x32xf32>
    %get3A_187 = arith.constant 0 : index
    %get3A_188 = arith.constant 0 : index
    %get3A_189 = vector.load %arg10[%get3A_187, %get3A_188] : memref<1x32xf32, #tpu.memory_space<vmem>>, vector<1x32xf32>
    %add3A_190 = vector.broadcast %get3A_189 : vector<1x32xf32> to vector<2000x32xf32>
    %add3A_191 = arith.addf %mul3A_186, %add3A_190 : vector<2000x32xf32>
    %get3A_192 = arith.constant 0 : index
    %get3A_193 = arith.constant 0 : index
    %get3A_194 = vector.load %arg3[%get3A_192, %get3A_193] : memref<2000x8xf32, #tpu.memory_space<vmem>>, vector<2000x8xf32>
    %get3A_195 = arith.constant 0 : index
    %get3A_196 = arith.constant 0 : index
    %get3A_197 = vector.load %arg11[%get3A_195, %get3A_196] : memref<8x32xf32, #tpu.memory_space<vmem>>, vector<8x32xf32>
    %dot_general3A_198 = arith.constant dense<0.000000e+00> : vector<2000x32xf32>
    %dot_general3A_199 = tpu.matmul %get3A_194, %get3A_197, %dot_general3A_198 {dimension_numbers = #tpu.dot_dimension_numbers<[1], [0], [0], [1], [0, 0, 1, 1], [], []>, transpose_lhs_hint = false} : vector<2000x8xf32>, vector<8x32xf32>, vector<2000x32xf32> -> vector<2000x32xf32>
    %get3A_200 = arith.constant 0 : index
    %get3A_201 = arith.constant 0 : index
    %get3A_202 = vector.load %arg12[%get3A_200, %get3A_201] : memref<1x32xf32, #tpu.memory_space<vmem>>, vector<1x32xf32>
    %sqrt3A_203 = arith.constant 1.000010e+00 : f32
    %sqrt3A_204 = math.sqrt %sqrt3A_203 : f32
    %div3A_205 = arith.constant 1.000000e+00 : f32
    %div3A_206 = arith.divf %div3A_205, %sqrt3A_204 : f32
    %mul3A_207 = vector.broadcast %div3A_206 : f32 to vector<1x32xf32>
    %mul3A_208 = arith.mulf %get3A_202, %mul3A_207 : vector<1x32xf32>
    %mul3A_209 = vector.broadcast %mul3A_208 : vector<1x32xf32> to vector<2000x32xf32>
    %mul3A_210 = arith.mulf %dot_general3A_199, %mul3A_209 : vector<2000x32xf32>
    %get3A_211 = arith.constant 0 : index
    %get3A_212 = arith.constant 0 : index
    %get3A_213 = vector.load %arg13[%get3A_211, %get3A_212] : memref<1x32xf32, #tpu.memory_space<vmem>>, vector<1x32xf32>
    %add3A_214 = vector.broadcast %get3A_213 : vector<1x32xf32> to vector<2000x32xf32>
    %add3A_215 = arith.addf %mul3A_210, %add3A_214 : vector<2000x32xf32>
    %add3A_216 = arith.addf %add3A_191, %add3A_215 : vector<2000x32xf32>
    %ge3A = arith.constant 0.000000e+00 : f32
    %ge3A_217 = vector.broadcast %ge3A : f32 to vector<2000x32xf32>
    %ge3A_218 = arith.cmpf oge, %add3A_216, %ge3A_217 : vector<2000x32xf32>
    %mul3A_219 = arith.constant 2.000000e-01 : f32
    %mul3A_220 = vector.broadcast %mul3A_219 : f32 to vector<2000x32xf32>
    %mul3A_221 = arith.mulf %mul3A_220, %add3A_216 : vector<2000x32xf32>
    %select_n3A_222 = arith.select %ge3A_218, %add3A_216, %mul3A_221 : vector<2000x32xi1>, vector<2000x32xf32>
    %swap3A = arith.constant 0 : index
    %swap3A_223 = arith.constant 0 : index
    %swap3A_224 = vector.load %arg14[%swap3A, %swap3A_223] : memref<2000x32xf32, #tpu.memory_space<vmem>>, vector<2000x32xf32>
    tpu.vector_store %arg14[%swap3A, %swap3A_223], %select_n3A_222 {strides = array<i32>} : memref<2000x32xf32, #tpu.memory_space<vmem>>, vector<2000x32xf32>,
    return
  }
  func.func @transform_0(%arg0: i32) -> (i32, i32) {
    %c0_i32 = arith.constant 0 : i32
    %c0_i32_0 = arith.constant 0 : i32
    return %arg0, %c0_i32 : i32, i32
  }
  func.func @transform_1(%arg0: i32) -> (i32, i32) {
    %c0_i32 = arith.constant 0 : i32
    %c0_i32_0 = arith.constant 0 : i32
    return %arg0, %c0_i32 : i32, i32
  }
  func.func @transform_2(%arg0: i32) -> (i32, i32) {
    %c0_i32 = arith.constant 0 : i32
    %c0_i32_0 = arith.constant 0 : i32
    return %arg0, %c0_i32 : i32, i32
  }
  func.func @transform_3(%arg0: i32) -> (i32, i32) {
    %c0_i32 = arith.constant 0 : i32
    %c0_i32_0 = arith.constant 0 : i32
    %c0_i32_1 = arith.constant 0 : i32
    return %c0_i32, %c0_i32_0 : i32, i32
  }
  func.func @transform_4(%arg0: i32) -> (i32, i32) {
    %c0_i32 = arith.constant 0 : i32
    %c0_i32_0 = arith.constant 0 : i32
    %c0_i32_1 = arith.constant 0 : i32
    return %c0_i32, %c0_i32_0 : i32, i32
  }
  func.func @transform_5(%arg0: i32) -> (i32, i32) {
    %c0_i32 = arith.constant 0 : i32
    %c0_i32_0 = arith.constant 0 : i32
    %c0_i32_1 = arith.constant 0 : i32
    return %c0_i32, %c0_i32_0 : i32, i32
  }
  func.func @transform_6(%arg0: i32) -> (i32, i32) {
    %c0_i32 = arith.constant 0 : i32
    %c0_i32_0 = arith.constant 0 : i32
    %c0_i32_1 = arith.constant 0 : i32
    return %c0_i32, %c0_i32_0 : i32, i32
  }
  func.func @transform_7(%arg0: i32) -> (i32, i32) {
    %c0_i32 = arith.constant 0 : i32
    %c0_i32_0 = arith.constant 0 : i32
    %c0_i32_1 = arith.constant 0 : i32
    return %c0_i32, %c0_i32_0 : i32, i32
  }
  func.func @transform_8(%arg0: i32) -> (i32, i32) {
    %c0_i32 = arith.constant 0 : i32
    %c0_i32_0 = arith.constant 0 : i32
    %c0_i32_1 = arith.constant 0 : i32
    return %c0_i32, %c0_i32_0 : i32, i32
  }
  func.func @transform_9(%arg0: i32) -> (i32, i32) {
    %c0_i32 = arith.constant 0 : i32
    %c0_i32_0 = arith.constant 0 : i32
    %c0_i32_1 = arith.constant 0 : i32
    return %c0_i32, %c0_i32_0 : i32, i32
  }
  func.func @transform_10(%arg0: i32) -> (i32, i32) {
    %c0_i32 = arith.constant 0 : i32
    %c0_i32_0 = arith.constant 0 : i32
    %c0_i32_1 = arith.constant 0 : i32
    return %c0_i32, %c0_i32_0 : i32, i32
  }
  func.func @transform_11(%arg0: i32) -> (i32, i32) {
    %c0_i32 = arith.constant 0 : i32
    %c0_i32_0 = arith.constant 0 : i32
    %c0_i32_1 = arith.constant 0 : i32
    return %c0_i32, %c0_i32_0 : i32, i32
  }
  func.func @transform_12(%arg0: i32) -> (i32, i32) {
    %c0_i32 = arith.constant 0 : i32
    %c0_i32_0 = arith.constant 0 : i32
    %c0_i32_1 = arith.constant 0 : i32
    return %c0_i32, %c0_i32_0 : i32, i32
  }
  func.func @transform_13(%arg0: i32) -> (i32, i32) {
    %c0_i32 = arith.constant 0 : i32
    %c0_i32_0 = arith.constant 0 : i32
    return %arg0, %c0_i32 : i32, i32
  }
}

</mosaic_0001>

<sc_bundles>
// kernel: kernel.10.cloned.1.call-start
scs
__scs_entry_jumppad:
0x0: {  	(pc) =	sbr.rel $0x88, $3  }
0x1: {  	(tag) =	ssettag $0x0;
	lr =	simm.s32 $0x1  }
0x2: {  	[smem:$0x3F87] =	sst lr;
	_ =	strace $0xD0000000  }
0x3: {  	_ = 	snop  }
0x4: {  	_ = 	snop  }
0x5: {  	_ = 	snop  }
0x6: {  	_ = 	snop  }
0x7: {  	_ = 	snop  }
__scs_overlays_trampoline_lowered:
0x8: {  	[smem:$0x3F96] =	sst s0  }
0x9: {  	[smem:$0x3F97] =	sst s1  }
0xa: {  	[smem:$0x3F98] =	sst s2  }
0xb: {  	[smem:$0x3F99] =	sst s3  }
0xc: {  	[smem:$0x3F9A] =	sst s4  }
0xd: {  	[smem:$0x3F9B] =	sst s5  }
0xe: {  	[smem:$0x3F9C] =	sst s6  }
0xf: {  	[smem:$0x3F9D] =	sst s7  }
0x10: {  	[smem:$0x3F9E] =	sst s8  }
0x11: {  	[smem:$0x3F9F] =	sst s9;
	s0 =	simm.s32 @!p0 $0x0  }
0x12: {  	s1 =	sld [smem:$0x3F85];
	s0 =	simm.s32 @p0 $0x1  }
0x13: {  	[smem:$0x3FA0] =	sst s0;
	s0 =	simm.s32 @!p1 $0x0  }
0x14: {  	s2 =	sld [smem:$0x3F84];
	s0 =	simm.s32 @p1 $0x1  }
0x15: {  	[smem:$0x3FA1] =	sst s0;
	s0 =	simm.s32 @!p2 $0x0  }
0x16: {  	s3 =	sld [smem:$0x3FDB];
	s0 =	simm.s32 @p2 $0x1  }
0x17: {  	s4 =	simm.s32 $0x1BF5;
	[smem:$0x3FA3] =	sst s0  }
0x18: {  	s0 =	sld [smem:$0x3F86];
	_ =	swait.ge [sflag:s4], $0x0  }
0x19: {  	s7 =	sld [smem:$0x3F87]  }
0x1a: {  	s8 =	sadd.s32 $0xFFFFE003, lr  }
0x1b: {  	s9 =	sadd.s32 $0xFFFFFEF7, lr;
	s5 =	simm.s32 $0xFFFFFFFF;
	p2 =	slt.u32 s8, $0xFFFFF086  }
0x1c: {  	p1 =	slt.u32 s9, $0xF7A;
	s5 =	simm.s32 @!p2 $0x0  }
0x1d: {  	s5 =	simm.s32 @p1 $0x1;
	p0 =	seq.s32 s7, s2  }
0x1e: {  	s7 =	smul.u32 @!p0 $0xF7A, s2;
	p2 =	seq.s32 @!p0 s5, $0x0  }
0x1f: {  	s9 =	smul.u32 $0xF7A, s1;
	s8 =	simm.s32 @!p0 $0x1BF5;
	p2 =	por !p2, p0  }
0x20: {  	[sflag:s8] =	ssyncset.s32 @!p0 $0xFFFFF086;
	s6 =	sadd.s32 @!p0 s3, s7;
	s7 =	simm.s32 @!p0 $0x108  }
0x21: {  	s3 =	sadd.s32 s3, s9;
	s6 =	sadd.s32 @!p0 $0x88, s6;
	s7 =	simm.s32 @p2 $0x1082  }
0x22: {  	[simem:s7], [sflag:s8] =	dma.local @!p0 [hbm:s6], $0xF7A  }
0x23: {  	s9 =	sor.u32 $0xD0000000, s2;
	s6 =	simm.s32 $0x108;
	_ =	swait.ge @!p0 [sflag:s8], $0x0  }
0x24: {  	s3 =	sadd.s32 $0x88, s3;
	s6 =	simm.s32 @!p1 $0x1082;
	[sflag:s4] =	ssyncset.s32 $0xFFFFF086  }
0x25: {  	[simem:s6], [sflag:s4] =	dma.local [hbm:s3], $0xF7A  }
0x26: {  	[smem:$0x3F87] =	sst s1;
	(tag) =	ssettag s2;
	_ =	strace s9  }
0x27: {  	s1 =	sld [smem:$0x3F97]  }
0x28: {  	s2 =	sld [smem:$0x3F98]  }
0x29: {  	s4 =	sld [smem:$0x3F9A]  }
0x2a: {  	p0 =	seq.s32 s5, $0x0;
	s5 =	sld [smem:$0x3F9B]  }
0x2b: {  	s6 =	sld [smem:$0x3F9C]  }
0x2c: {  	s7 =	sld [smem:$0x3F9D]  }
0x2d: {  	s3 =	simm.s32 $0x108;
	s8 =	sld [smem:$0x3F9E]  }
0x2e: {  	s3 =	simm.s32 @!p0 $0x1082;
	s9 =	sld [smem:$0x3F9F]  }
0x2f: {  	lr =	sadd.s32 s0, s3;
	s0 =	sld [smem:$0x3F96]  }
0x30: {  	s3 =	sld [smem:$0x3F99]  }
0x31: {  	[smem:$0x3FA2] =	sst s10  }
0x32: {  	s10 =	sld [smem:$0x3FA0];
	_ =	sdelay $0x3  }
0x33: {  	p0 =	seq.s32 s10, $0x1;
	s10 =	sld [smem:$0x3FA2];
	_ =	sdelay $0x3  }
0x34: {  	[smem:$0x3FA2] =	sst s10  }
0x35: {  	s10 =	sld [smem:$0x3FA1];
	_ =	sdelay $0x3  }
0x36: {  	p1 =	seq.s32 s10, $0x1;
	s10 =	sld [smem:$0x3FA2];
	_ =	sdelay $0x3  }
0x37: {  	[smem:$0x3FA2] =	sst s10  }
0x38: {  	s10 =	sld [smem:$0x3FA3]  }
0x39: {  	_ = 	snop;
	(pc) =	sbr.ind lr, $3  }
0x3a: {  	_ = 	snop  }
0x3b: {  	_ = 	snop  }
0x3c: {  	p2 =	seq.s32 s10, $0x1;
	s10 =	sld [smem:$0x3FA2]  }
0x3d: {  	_ =	shalt  }
0x3e: {  	_ =	shalt  }
0x3f: {  	_ =	shalt  }
0x40: {  	_ =	shalt  }
0x41: {  	_ =	shalt  }
0x42: {  	_ =	shalt  }
0x43: {  	_ =	shalt  }
0x44: {  	_ =	shalt  }
0x45: {  	_ =	shalt  }
0x46: {  	_ =	shalt  }
0x47: {  	_ =	shalt  }
0x48: {  	_ =	shalt  }
0x49: {  	_ =	shalt  }
0x4a: {  	_ =	shalt  }
0x4b: {  	_ =	shalt  }
0x4c: {  	_ =	shalt  }
0x4d: {  	_ =	shalt  }
0x4e: {  	_ =	shalt  }
0x4f: {  	_ =	shalt  }
0x50: {  	_ =	shalt  }
0x51: {  	_ =	shalt  }
0x52: {  	_ =	shalt  }
0x53: {  	_ =	shalt  }
0x54: {  	_ =	shalt  }
0x55: {  	_ =	shalt  }
0x56: {  	_ =	shalt  }
0x57: {  	_ =	shalt  }
0x58: {  	_ =	shalt  }
0x59: {  	_ =	shalt  }
0x5a: {  	_ =	shalt  }
0x5b: {  	_ =	shalt  }
0x5c: {  	_ =	shalt  }
0x5d: {  	_ =	shalt  }
0x5e: {  	_ =	shalt  }
0x5f: {  	_ =	shalt  }
0x60: {  	_ =	shalt  }
0x61: {  	_ =	shalt  }
0x62: {  	_ =	shalt  }
0x63: {  	_ =	shalt  }
0x64: {  	_ =	shalt  }
0x65: {  	_ =	shalt  }
0x66: {  	_ =	shalt  }
0x67: {  	_ =	shalt  }
0x68: {  	_ =	shalt  }
0x69: {  	_ =	shalt  }
0x6a: {  	_ =	shalt  }
0x6b: {  	_ =	shalt  }
0x6c: {  	_ =	shalt  }
0x6d: {  	_ =	shalt  }
0x6e: {  	_ =	shalt  }
0x6f: {  	_ =	shalt  }
0x70: {  	_ =	shalt  }
0x71: {  	_ =	shalt  }
0x72: {  	_ =	shalt  }
0x73: {  	_ =	shalt  }
0x74: {  	_ =	shalt  }
0x75: {  	_ =	shalt  }
0x76: {  	_ =	shalt  }
0x77: {  	_ =	shalt  }
0x78: {  	_ =	shalt  }
0x79: {  	_ =	shalt  }
0x7a: {  	_ =	shalt  }
0x7b: {  	_ =	shalt  }
0x7c: {  	_ =	shalt  }
0x7d: {  	_ =	shalt  }
0x7e: {  	_ =	shalt  }
0x7f: {  	_ =	shalt  }
0x80: {  	_ =	shalt  }
0x81: {  	_ =	shalt  }
0x82: {  	_ =	shalt  }
0x83: {  	_ =	shalt  }
0x84: {  	_ =	shalt  }
0x85: {  	_ =	shalt  }
0x86: {  	_ =	shalt  }
0x87: {  	_ =	shalt  }
.Lfunc_end0:
.L_simem_size_0:
called_computation.1_lowered:
.L_overlay_start_0:
0x88: {  	s2 =	sld [smem:$0x3FD9]  }
0x89: {  	s3 =	sld [smem:$0x3FFE];
	_ =	sdelay $0x1  }
0x8a: {  	s1 =	srdreg.scid  }
0x8b: {  	s0 =	sand.u32 $0x1, s1  }
0x8c: {  	s17 =	sshll.u32 s0, $0xA;
	s2 =	sadd.s32 s3, s2  }
0x8d: {  	s2 =	sadd.s32 s2, s17  }
0x8e: {  	[smem:$0x3FAE] =	sst s2  }
0x8f: {  	_ = 	snop  }
0x90: {  	s2 =	sld [smem:$0x3FD0];
	(tm) =	ssettm $0x1  }
0x91: {  	s18 =	sld [smem:$0x3FFB];
	_ =	sdelay $0x3  }
0x92: {  	_ =	strace s18  }
0x93: {  	s3 =	sld [smem:$0x3FFC];
	_ =	sdelay $0x3  }
0x94: {  	_ =	strace s3  }
0x95: {  	s3 =	sld [smem:$0x3FFD];
	_ =	sdelay $0x3  }
0x96: {  	_ =	strace s3  }
0x97: {  	_ =	strace $0x8FFFFFFF  }
0x98: {  	s19 =	sld [smem:$0x3FDB];
	_ =	sdelay $0x1  }
0x99: {  	s4 =	simm.s32 $_scs_section_size  }
0x9a: {  	s5 =	simm.s32 $_size__tile_overlayer_lowered;
	s6 =	simm.s32 $_tile_overlayer_lowered  }
0x9b: {  	s22 =	simm.s32 $0x1BFF;
	s21 =	sshll.u32 s6, $0x1;
	s3 =	sadd.s32 s4, s19  }
0x9c: {  	s7 =	simm.s32 $0x0;
	s20 =	sshll.u32 s5, $0x1;
	s5 =	sadd.s32 s21, s3  }
0x9d: {  	[timem:s7], [sflag:s22] =	dma.local [hbm:s5], s20  }
0x9e: {  	_ =	swait.ge [sflag:s22], s20  }
0x9f: {  	s4 =	ssub.s32 $0x0, s20;
	[sflag:s22] =	ssyncset.done $0x0  }
0xa0: {  	[sflag:s22] =	ssyncadd.s32 s4;
	_ =	sdelay $0x1  }
0xa1: {  	s23 =	simm.s32 $0x1B8B  }
0xa2: {  	_ =	swait.ge [sflag:s23], $0x1  }
0xa3: {  	[sflag:s23] =	ssyncset.done $0x0  }
0xa4: {  	s25 =	simm.s32 $0x1B8E;
	s24 =	sld [smem:$0x3FFE];
	[sflag:s23] =	ssyncadd.s32 $0xFFFFFFFF  }
0xa5: {  	s26 =	simm.s32 $execute0_lowered;
	[smem:$0x3FD2] =	sst s25  }
0xa6: {  	s5 =	sshll.u32 s26, $0x1;
	_ =	strace $0x80000049;
	[dreg:$0x1] =	wrdreg $0xFFFFFFFF  }
0xa7: {  	s28 =	simm.s32 $_size_execute0_lowered;
	s3 =	sadd.s32 s3, s5;
	[dreg:$0x0] =	wrdreg $0x0  }
0xa8: {  	s5 =	sshll.u32 s28, $0x1;
	[dreg:$0x2] =	wrdreg s3  }
0xa9: {  	[dreg:$0x3] =	wrdreg s5  }
0xaa: {  	[dreg:$0x4] =	wrdreg $0xC0  }
0xab: {  	_ =	task [dreg:s7], $0x5FFFF  }
0xac: {  	[dreg:$0x1] =	wrdreg $0xFFFFFFFF  }
0xad: {  	[dreg:$0x0] =	wrdreg $0x60  }
0xae: {  	[dreg:$0x2] =	wrdreg s2  }
0xaf: {  	[dreg:$0x3] =	wrdreg s24  }
0xb0: {  	[dreg:$0x4] =	wrdreg $0x9  }
0xb1: {  	_ =	task.clear_ibuf [dreg:s7], $0x5FFFF;
	_ =	strace $0x90000049  }
0xb2: {  	s29 =	simm.s32 $0x9;
	_ =	strace $0x8000004B  }
0xb3: {  	_ =	swait.ge [sflag:s29], $0x1  }
0xb4: {  	[sflag:s29] =	ssyncadd.s32 $0xFFFFFFFF  }
0xb5: {  	_ =	strace $0x9000004B  }
0xb6: {  	_ =	sfence  }
0xb7: {  	s30 =	sld [smem:$0x0];
	_ =	sdelay $0x2  }
0xb8: {  	s31 =	sshll.u32 s1, $0xD;
	s1 =	sshrl.u32 s1, $0x2  }
0xb9: {  	s3 =	sand.u32 $0x4000, s31;
	s1 =	sadd.s32 s1, s30  }
0xba: {  	s0 =	sor.u32 s3, s0;
	s1 =	sshll.u32 s1, $0x11  }
0xbb: {  	s0 =	sor.u32 s1, s0  }
0xbc: {  	s0 =	sadd.s32 $0x8F2B, s0  }
0xbd: {  	[sflag:s0] =	ssyncadd.remote.s32 $0x1  }
0xbe: {  	_ =	sfence.sel $0xFFFF  }
0xbf: {  	[dreg:$0x0] =	wrdreg $0xFFFFFFFF;
	(pc) =	sbr.abs _section_cstart, $3  }
0xc0: {  	[dreg:$0x1] =	wrdreg $0xFFFFFFFF  }
0xc1: {  	_ =	task.clear_ibuf [dreg:s7], $0x2FFFF;
	_ =	strace $0x9FFFFFFF  }
0xc2: {  	(tm) =	ssettm $0x7FFFFFFF  }
0xc3: {  	_ =	shalt  }
tec
execute0_lowered:
.L_overlay_start_1:
0x0: {  	(tag) =	ssettag $0x1  }
0x1: {  	s1 =	srdreg.scid;
	s2 =	rddreg [dreg:$0x0]  }
0x2: {  	s0 =	stileid.u32;
	s5 =	rddreg [dreg:$0x1];
	s3 =	simm.s32 $0x0  }
0x3: {  	s15 =	simm.s32 $0x8CA0;
	s16 =	simm.s32 $0x1;
	s10 =	smul.u32 $0x186A0, s0  }
0x4: {  	s17 =	simm.s32 $0x2;
	s9 =	sand.u32 $0x1, s1;
	s14 =	smul.u32 $0x30D40, s0  }
0x5: {  	s18 =	simm.s32 $0x0;
	s24 =	sshll.u32 s0, $0x1;
	s12 =	smul.u32 $0xC350, s9  }
0x6: {  	s1 =	rddreg [dreg:$0x2];
	s4 =	sor.u32 s9, s24;
	s30 =	smul.u32 $0x186A0, s9  }
0x7: {  	[smem:$0x7FF] =	sst s3;
	s13 =	sadd.s32 $0x33F800, s5;
	s6 =	smul.u32 $0xC350, s4  }
0x8: {  	s8 =	ssub.s32 $0x2, s9;
	_ =	strace $0x8000004A;
	s7 =	smul.u32 $0xC3500, s4  }
0x9: {  	s11 =	sshrl.u32 s8, $0x1;
	s4 =	sadd.s32 $0x30EA00, s5;
	s31 =	sadd.s32 s14, s13  }
0xa: {  	s14 =	simm.s32 $0xFA0;
	s8 =	ssub.s32 s8, s11;
	s10 =	sadd.s32 s12, s10  }
0xb: {  	s12 =	simm.s32 $0x3;
	s25 =	sshrl.u32 s6, $0x3;
	s26 =	sshrl.u32 s7, $0x3  }
0xc: {  	s28 =	sadd.s32 $0x7D0, s10;
	s7 =	smax.u32 s8, $0x1;
	s9 =	sadd.s32 $0xFA0, s10  }
0xd: {  	s10 =	sadd.s32 s30, s31;
	s5 =	sadd.s32 s4, s25;
	s6 =	sadd.s32 s13, s26  }
0xe: {  	s29 =	sshll.u32 s28, $0x1;
	s11 =	sshrl.u32 s28, $0x3;
	s6 =	sadd.s32 $0x17700, s6  }
0xf: {  	s8 =	sadd.s32 s29, s13;
	s11 =	sadd.s32 s11, s4;
	s13 =	simm.s32 $0x7D0  }
.LBB2_1:
0x10: {  	[tilespmem:s3], [sflag:$0x3] =	stream.linear.gather [hbm4b:s5+s3], $0x7D0, $0x38;
	[tilespmem:$0x109A0] =	vst v63  }
0x11: {  	_ =	swait.ge [sflag:s12], $0x7D0  }
0x12: {  	[sflag:s12] =	ssyncset.done $0x0  }
0x13: {  	[sflag:s12] =	ssyncadd.s32 $0xFFFFF830  }
0x14: {  	[tilespmem:s14], [sflag:$0x1] =	stream.indirect.gather [hbm4b:s2+s13], $0x10, s3, s13, $0xb8;
	[tilespmem:$0x109A0] =	vst v63  }
0x15: {  	_ = 	snop  }
0x16: {  	[tilespmem:s13], [sflag:$0x3] =	stream.linear.gather [hbm4b:s11+s3], $0x7D0, $0x38;
	[tilespmem:$0x109A0] =	vst v63  }
0x17: {  	_ =	swait.ge [sflag:s12], $0x7D0  }
0x18: {  	[sflag:s12] =	ssyncset.done $0x0  }
0x19: {  	[sflag:s12] =	ssyncadd.s32 $0xFFFFF830  }
0x1a: {  	[tilespmem:s15], [sflag:$0x2] =	stream.indirect.gather [hbm4b:s2+s13], $0x10, s13, s13, $0xb8;
	[tilespmem:$0x109A0] =	vst v63  }
0x1b: {  	_ =	swait.ge [sflag:s16], $0x7D00  }
0x1c: {  	[sflag:s16] =	ssyncset.done $0x0  }
0x1d: {  	s19 =	sadd.s32 $0x0, s10;
	[sflag:s16] =	ssyncadd.s32 $0xFFFF8300  }
0x1e: {  	[hbm4b:s19+s3] =	stream.linear.scatter [tilespmem:s14], [sflag:$0x3], $0x7D00, $0x38;
	[tilespmem:$0x109A0] =	vst v63  }
0x1f: {  	_ =	swait.ge [sflag:s12], $0x7D00  }
0x20: {  	s30 =	sshrl.u32 s9, $0x3;
	[sflag:s12] =	ssyncset.done $0x0  }
0x21: {  	s19 =	sadd.s32 s4, s30;
	[sflag:s12] =	ssyncadd.s32 $0xFFFF8300  }
0x22: {  	[tilespmem:s3], [sflag:$0x3] =	stream.linear.gather [hbm4b:s19+s3], $0x7D0, $0x38;
	[tilespmem:$0x109A0] =	vst v63  }
0x23: {  	_ =	swait.ge [sflag:s12], $0x7D0  }
0x24: {  	[sflag:s12] =	ssyncset.done $0x0  }
0x25: {  	[sflag:s12] =	ssyncadd.s32 $0xFFFFF830  }
0x26: {  	[tilespmem:s14], [sflag:$0x1] =	stream.indirect.gather [hbm4b:s2+s13], $0x10, s3, s13, $0xb8;
	[tilespmem:$0x109A0] =	vst v63  }
0x27: {  	_ =	swait.ge [sflag:s17], $0x7D00  }
0x28: {  	[sflag:s17] =	ssyncset.done $0x0  }
0x29: {  	s31 =	sadd.s32 $0x0, s8;
	[sflag:s17] =	ssyncadd.s32 $0xFFFF8300  }
0x2a: {  	[hbm4b:s31+s3] =	stream.linear.scatter [tilespmem:s15], [sflag:$0x3], $0x7D00, $0x38;
	[tilespmem:$0x109A0] =	vst v63  }
0x2b: {  	s20 =	smov.u32 s9;
	_ =	swait.ge [sflag:s12], $0x7D00  }
0x2c: {  	s21 =	smov.u32 s11;
	s19 =	simm.s32 $0x1F40;
	[sflag:s12] =	ssyncset.done $0x0  }
.LBB2_2:
0x2d: {  	[sflag:s12] =	ssyncadd.s32 $0xFFFF8300  }
0x2e: {  	s20 =	sadd.s32 $0xFA0, s20;
	s21 =	sadd.s32 $0x1F4, s21;
	s22 =	smov.u32 s19  }
0x2f: {  	[tilespmem:s13], [sflag:$0x3] =	stream.linear.gather [hbm4b:s21+s3], $0x7D0, $0x38;
	[tilespmem:$0x109A0] =	vst v63  }
0x30: {  	p0 =	sne.s32 s19, $0x157C0;
	s19 =	sadd.s32 $0x1F40, s19;
	_ =	swait.ge [sflag:s12], $0x7D0  }
0x31: {  	[sflag:s12] =	ssyncset.done $0x0  }
0x32: {  	[sflag:s12] =	ssyncadd.s32 $0xFFFFF830  }
0x33: {  	[tilespmem:s15], [sflag:$0x2] =	stream.indirect.gather [hbm4b:s2+s13], $0x10, s13, s13, $0xb8;
	[tilespmem:$0x109A0] =	vst v63  }
0x34: {  	_ =	swait.ge [sflag:s16], $0x7D00  }
0x35: {  	[sflag:s16] =	ssyncset.done $0x0  }
0x36: {  	s23 =	sadd.s32 s22, s10;
	[sflag:s16] =	ssyncadd.s32 $0xFFFF8300  }
0x37: {  	[hbm4b:s23+s3] =	stream.linear.scatter [tilespmem:s14], [sflag:$0x3], $0x7D00, $0x38;
	[tilespmem:$0x109A0] =	vst v63  }
0x38: {  	_ =	swait.ge [sflag:s12], $0x7D00  }
0x39: {  	s23 =	sshrl.u32 s20, $0x3;
	[sflag:s12] =	ssyncset.done $0x0  }
0x3a: {  	s23 =	sadd.s32 s4, s23;
	[sflag:s12] =	ssyncadd.s32 $0xFFFF8300  }
0x3b: {  	[tilespmem:s3], [sflag:$0x3] =	stream.linear.gather [hbm4b:s23+s3], $0x7D0, $0x38;
	[tilespmem:$0x109A0] =	vst v63  }
0x3c: {  	_ =	swait.ge [sflag:s12], $0x7D0  }
0x3d: {  	[sflag:s12] =	ssyncset.done $0x0  }
0x3e: {  	[sflag:s12] =	ssyncadd.s32 $0xFFFFF830  }
0x3f: {  	[tilespmem:s14], [sflag:$0x1] =	stream.indirect.gather [hbm4b:s2+s13], $0x10, s3, s13, $0xb8;
	[tilespmem:$0x109A0] =	vst v63  }
0x40: {  	_ =	swait.ge [sflag:s17], $0x7D00  }
.Ltmp0:
0x41: {  	[sflag:s17] =	ssyncset.done $0x0;
	(pc) =	sbr.rel @p0 .LBB2_2-.Ltmp0, $4  }
0x42: {  	s22 =	sadd.s32 s22, s8;
	[sflag:s17] =	ssyncadd.s32 $0xFFFF8300  }
0x43: {  	[hbm4b:s22+s3] =	stream.linear.scatter [tilespmem:s15], [sflag:$0x3], $0x7D00, $0x38;
	[tilespmem:$0x109A0] =	vst v63  }
0x44: {  	_ =	swait.ge [sflag:s12], $0x7D00  }
0x45: {  	[sflag:s12] =	ssyncset.done $0x0  }
0x46: {  	[sflag:s12] =	ssyncadd.s32 $0xFFFF8300  }
0x47: {  	s18 =	sadd.s32 $0x1, s18;
	_ =	swait.ge [sflag:s16], $0x7D00  }
0x48: {  	p0 =	sne.s32 s18, s7;
	[sflag:s16] =	ssyncset.done $0x0  }
.Ltmp1:
0x49: {  	[sflag:s16] =	ssyncadd.s32 $0xFFFF8300;
	(pc) =	sbr.rel @p0 .LBB2_1-.Ltmp1, $4  }
0x4a: {  	[hbm4b:s6+s3] =	stream.linear.scatter [tilespmem:s14], [sflag:$0x3], $0x7D00, $0x38;
	[tilespmem:$0x109A0] =	vst v63  }
0x4b: {  	_ =	swait.ge [sflag:s12], $0x7D00  }
0x4c: {  	[sflag:s12] =	ssyncset.done $0x0  }
0x4d: {  	[sflag:s12] =	ssyncadd.s32 $0xFFFF8300  }
0x4e: {  	_ =	sfence.sel $0x180000  }
0x4f: {  	[bflag:$0x0] =	sbarrier.arrive $0xFFFF  }
0x50: {  	p0 =	sne.s32 s0, $0x0;
	_ =	strace $0x9000004A  }
0x51: {  	s0 =	sadd.s32 @!p0 $0x100000, s1;
	[bflag:$0x2] =	sbarrier.arrive $0xFFFF  }
0x52: {  	[sflag:s0] =	ssyncadd.tile.s32 @!p0 $0x1;
	_ =	shalt  }
.Lfunc_end2:
_tile_overlayer_lowered:
.L_overlay_start_2:
0x53: {  	(tag) =	ssettag $0x2  }
0x54: {  	s0 =	rddreg [dreg:$0x0];
	s2 =	stileid.u32  }
0x55: {  	s1 =	rddreg [dreg:$0x1];
	p0 =	sne.s32 s2, $0x0  }
0x56: {  	s3 =	rddreg [dreg:$0x2];
	[bflag:$0x3] =	sbarrier.arrive $0xFFFF;
	s2 =	simm.s32 @!p0 $0x1C03  }
0x57: {  	[timem:s3], [sflag:s2] =	dma.local @!p0 [hbm:s0], s1  }
0x58: {  	s0 =	simm.s32 @!p0 $0x3  }
0x59: {  	_ =	swait.ge @!p0 [sflag:s0], s1  }
0x5a: {  	s1 =	ssub.s32 @!p0 $0x0, s1;
	[sflag:s0] =	ssyncset.done @!p0 $0x0  }
0x5b: {  	[sflag:s0] =	ssyncadd.s32 @!p0 s1  }
0x5c: {  	[bflag:$0x3] =	sbarrier.arrive $0xFFFF  }
0x5d: {  	_ =	shalt  }

// kernel: kernel.7.cloned.1.call-start
scs
__scs_entry_jumppad:
0x0: {  	(pc) =	sbr.rel $0x88, $3  }
0x1: {  	(tag) =	ssettag $0x0;
	lr =	simm.s32 $0x1  }
0x2: {  	[smem:$0x3F87] =	sst lr;
	_ =	strace $0xD0000000  }
0x3: {  	_ = 	snop  }
0x4: {  	_ = 	snop  }
0x5: {  	_ = 	snop  }
0x6: {  	_ = 	snop  }
0x7: {  	_ = 	snop  }
__scs_overlays_trampoline_lowered:
0x8: {  	[smem:$0x3F96] =	sst s0  }
0x9: {  	[smem:$0x3F97] =	sst s1  }
0xa: {  	[smem:$0x3F98] =	sst s2  }
0xb: {  	[smem:$0x3F99] =	sst s3  }
0xc: {  	[smem:$0x3F9A] =	sst s4  }
0xd: {  	[smem:$0x3F9B] =	sst s5  }
0xe: {  	[smem:$0x3F9C] =	sst s6  }
0xf: {  	[smem:$0x3F9D] =	sst s7  }
0x10: {  	[smem:$0x3F9E] =	sst s8  }
0x11: {  	[smem:$0x3F9F] =	sst s9;
	s0 =	simm.s32 @!p0 $0x0  }
0x12: {  	s1 =	sld [smem:$0x3F85];
	s0 =	simm.s32 @p0 $0x1  }
0x13: {  	[smem:$0x3FA0] =	sst s0;
	s0 =	simm.s32 @!p1 $0x0  }
0x14: {  	s2 =	sld [smem:$0x3F84];
	s0 =	simm.s32 @p1 $0x1  }
0x15: {  	[smem:$0x3FA1] =	sst s0;
	s0 =	simm.s32 @!p2 $0x0  }
0x16: {  	s3 =	sld [smem:$0x3FDB];
	s0 =	simm.s32 @p2 $0x1  }
0x17: {  	s4 =	simm.s32 $0x1BF5;
	[smem:$0x3FA3] =	sst s0  }
0x18: {  	s0 =	sld [smem:$0x3F86];
	_ =	swait.ge [sflag:s4], $0x0  }
0x19: {  	s7 =	sld [smem:$0x3F87]  }
0x1a: {  	s8 =	sadd.s32 $0xFFFFE003, lr  }
0x1b: {  	s9 =	sadd.s32 $0xFFFFFEF7, lr;
	s5 =	simm.s32 $0xFFFFFFFF;
	p2 =	slt.u32 s8, $0xFFFFF086  }
0x1c: {  	p1 =	slt.u32 s9, $0xF7A;
	s5 =	simm.s32 @!p2 $0x0  }
0x1d: {  	s5 =	simm.s32 @p1 $0x1;
	p0 =	seq.s32 s7, s2  }
0x1e: {  	s7 =	smul.u32 @!p0 $0xF7A, s2;
	p2 =	seq.s32 @!p0 s5, $0x0  }
0x1f: {  	s9 =	smul.u32 $0xF7A, s1;
	s8 =	simm.s32 @!p0 $0x1BF5;
	p2 =	por !p2, p0  }
0x20: {  	[sflag:s8] =	ssyncset.s32 @!p0 $0xFFFFF086;
	s6 =	sadd.s32 @!p0 s3, s7;
	s7 =	simm.s32 @!p0 $0x108  }
0x21: {  	s3 =	sadd.s32 s3, s9;
	s6 =	sadd.s32 @!p0 $0x88, s6;
	s7 =	simm.s32 @p2 $0x1082  }
0x22: {  	[simem:s7], [sflag:s8] =	dma.local @!p0 [hbm:s6], $0xF7A  }
0x23: {  	s9 =	sor.u32 $0xD0000000, s2;
	s6 =	simm.s32 $0x108;
	_ =	swait.ge @!p0 [sflag:s8], $0x0  }
0x24: {  	s3 =	sadd.s32 $0x88, s3;
	s6 =	simm.s32 @!p1 $0x1082;
	[sflag:s4] =	ssyncset.s32 $0xFFFFF086  }
0x25: {  	[simem:s6], [sflag:s4] =	dma.local [hbm:s3], $0xF7A  }
0x26: {  	[smem:$0x3F87] =	sst s1;
	(tag) =	ssettag s2;
	_ =	strace s9  }
0x27: {  	s1 =	sld [smem:$0x3F97]  }
0x28: {  	s2 =	sld [smem:$0x3F98]  }
0x29: {  	s4 =	sld [smem:$0x3F9A]  }
0x2a: {  	p0 =	seq.s32 s5, $0x0;
	s5 =	sld [smem:$0x3F9B]  }
0x2b: {  	s6 =	sld [smem:$0x3F9C]  }
0x2c: {  	s7 =	sld [smem:$0x3F9D]  }
0x2d: {  	s3 =	simm.s32 $0x108;
	s8 =	sld [smem:$0x3F9E]  }
0x2e: {  	s3 =	simm.s32 @!p0 $0x1082;
	s9 =	sld [smem:$0x3F9F]  }
0x2f: {  	lr =	sadd.s32 s0, s3;
	s0 =	sld [smem:$0x3F96]  }
0x30: {  	s3 =	sld [smem:$0x3F99]  }
0x31: {  	[smem:$0x3FA2] =	sst s10  }
0x32: {  	s10 =	sld [smem:$0x3FA0];
	_ =	sdelay $0x3  }
0x33: {  	p0 =	seq.s32 s10, $0x1;
	s10 =	sld [smem:$0x3FA2];
	_ =	sdelay $0x3  }
0x34: {  	[smem:$0x3FA2] =	sst s10  }
0x35: {  	s10 =	sld [smem:$0x3FA1];
	_ =	sdelay $0x3  }
0x36: {  	p1 =	seq.s32 s10, $0x1;
	s10 =	sld [smem:$0x3FA2];
	_ =	sdelay $0x3  }
0x37: {  	[smem:$0x3FA2] =	sst s10  }
0x38: {  	s10 =	sld [smem:$0x3FA3]  }
0x39: {  	_ = 	snop;
	(pc) =	sbr.ind lr, $3  }
0x3a: {  	_ = 	snop  }
0x3b: {  	_ = 	snop  }
0x3c: {  	p2 =	seq.s32 s10, $0x1;
	s10 =	sld [smem:$0x3FA2]  }
0x3d: {  	_ =	shalt  }
0x3e: {  	_ =	shalt  }
0x3f: {  	_ =	shalt  }
0x40: {  	_ =	shalt  }
0x41: {  	_ =	shalt  }
0x42: {  	_ =	shalt  }
0x43: {  	_ =	shalt  }
0x44: {  	_ =	shalt  }
0x45: {  	_ =	shalt  }
0x46: {  	_ =	shalt  }
0x47: {  	_ =	shalt  }
0x48: {  	_ =	shalt  }
0x49: {  	_ =	shalt  }
0x4a: {  	_ =	shalt  }
0x4b: {  	_ =	shalt  }
0x4c: {  	_ =	shalt  }
0x4d: {  	_ =	shalt  }
0x4e: {  	_ =	shalt  }
0x4f: {  	_ =	shalt  }
0x50: {  	_ =	shalt  }
0x51: {  	_ =	shalt  }
0x52: {  	_ =	shalt  }
0x53: {  	_ =	shalt  }
0x54: {  	_ =	shalt  }
0x55: {  	_ =	shalt  }
0x56: {  	_ =	shalt  }
0x57: {  	_ =	shalt  }
0x58: {  	_ =	shalt  }
0x59: {  	_ =	shalt  }
0x5a: {  	_ =	shalt  }
0x5b: {  	_ =	shalt  }
0x5c: {  	_ =	shalt  }
0x5d: {  	_ =	shalt  }
0x5e: {  	_ =	shalt  }
0x5f: {  	_ =	shalt  }
0x60: {  	_ =	shalt  }
0x61: {  	_ =	shalt  }
0x62: {  	_ =	shalt  }
0x63: {  	_ =	shalt  }
0x64: {  	_ =	shalt  }
0x65: {  	_ =	shalt  }
0x66: {  	_ =	shalt  }
0x67: {  	_ =	shalt  }
0x68: {  	_ =	shalt  }
0x69: {  	_ =	shalt  }
0x6a: {  	_ =	shalt  }
0x6b: {  	_ =	shalt  }
0x6c: {  	_ =	shalt  }
0x6d: {  	_ =	shalt  }
0x6e: {  	_ =	shalt  }
0x6f: {  	_ =	shalt  }
0x70: {  	_ =	shalt  }
0x71: {  	_ =	shalt  }
0x72: {  	_ =	shalt  }
0x73: {  	_ =	shalt  }
0x74: {  	_ =	shalt  }
0x75: {  	_ =	shalt  }
0x76: {  	_ =	shalt  }
0x77: {  	_ =	shalt  }
0x78: {  	_ =	shalt  }
0x79: {  	_ =	shalt  }
0x7a: {  	_ =	shalt  }
0x7b: {  	_ =	shalt  }
0x7c: {  	_ =	shalt  }
0x7d: {  	_ =	shalt  }
0x7e: {  	_ =	shalt  }
0x7f: {  	_ =	shalt  }
0x80: {  	_ =	shalt  }
0x81: {  	_ =	shalt  }
0x82: {  	_ =	shalt  }
0x83: {  	_ =	shalt  }
0x84: {  	_ =	shalt  }
0x85: {  	_ =	shalt  }
0x86: {  	_ =	shalt  }
0x87: {  	_ =	shalt  }
.Lfunc_end0:
.L_simem_size_0:
called_computation_lowered:
.L_overlay_start_0:
0x88: {  	s2 =	sld [smem:$0x3FD9]  }
0x89: {  	s3 =	sld [smem:$0x3FFE];
	_ =	sdelay $0x1  }
0x8a: {  	s1 =	srdreg.scid  }
0x8b: {  	s0 =	sand.u32 $0x1, s1  }
0x8c: {  	s17 =	sshll.u32 s0, $0xA;
	s2 =	sadd.s32 s3, s2  }
0x8d: {  	s2 =	sadd.s32 s2, s17  }
0x8e: {  	[smem:$0x3FAE] =	sst s2  }
0x8f: {  	_ = 	snop  }
0x90: {  	s2 =	sld [smem:$0x3FD0];
	(tm) =	ssettm $0x1  }
0x91: {  	s18 =	sld [smem:$0x3FFB];
	_ =	sdelay $0x3  }
0x92: {  	_ =	strace s18  }
0x93: {  	s3 =	sld [smem:$0x3FFC];
	_ =	sdelay $0x3  }
0x94: {  	_ =	strace s3  }
0x95: {  	s3 =	sld [smem:$0x3FFD];
	_ =	sdelay $0x3  }
0x96: {  	_ =	strace s3  }
0x97: {  	_ =	strace $0x8FFFFFFF  }
0x98: {  	s19 =	sld [smem:$0x3FDB];
	_ =	sdelay $0x1  }
0x99: {  	s4 =	simm.s32 $_scs_section_size  }
0x9a: {  	s5 =	simm.s32 $_size__tile_overlayer_lowered;
	s6 =	simm.s32 $_tile_overlayer_lowered  }
0x9b: {  	s22 =	simm.s32 $0x1BFF;
	s21 =	sshll.u32 s6, $0x1;
	s3 =	sadd.s32 s4, s19  }
0x9c: {  	s7 =	simm.s32 $0x0;
	s20 =	sshll.u32 s5, $0x1;
	s5 =	sadd.s32 s21, s3  }
0x9d: {  	[timem:s7], [sflag:s22] =	dma.local [hbm:s5], s20  }
0x9e: {  	_ =	swait.ge [sflag:s22], s20  }
0x9f: {  	s4 =	ssub.s32 $0x0, s20;
	[sflag:s22] =	ssyncset.done $0x0  }
0xa0: {  	[sflag:s22] =	ssyncadd.s32 s4;
	_ =	sdelay $0x1  }
0xa1: {  	s23 =	simm.s32 $0x1B8B  }
0xa2: {  	_ =	swait.ge [sflag:s23], $0x1  }
0xa3: {  	[sflag:s23] =	ssyncset.done $0x0  }
0xa4: {  	s25 =	simm.s32 $0x1B8E;
	s24 =	sld [smem:$0x3FFE];
	[sflag:s23] =	ssyncadd.s32 $0xFFFFFFFF  }
0xa5: {  	s26 =	simm.s32 $execute0_lowered;
	[smem:$0x3FD2] =	sst s25  }
0xa6: {  	s5 =	sshll.u32 s26, $0x1;
	_ =	strace $0x80000046;
	[dreg:$0x1] =	wrdreg $0xFFFFFFFF  }
0xa7: {  	s28 =	simm.s32 $_size_execute0_lowered;
	s3 =	sadd.s32 s3, s5;
	[dreg:$0x0] =	wrdreg $0x0  }
0xa8: {  	s5 =	sshll.u32 s28, $0x1;
	[dreg:$0x2] =	wrdreg s3  }
0xa9: {  	[dreg:$0x3] =	wrdreg s5  }
0xaa: {  	[dreg:$0x4] =	wrdreg $0xC0  }
0xab: {  	_ =	task [dreg:s7], $0x5FFFF  }
0xac: {  	[dreg:$0x1] =	wrdreg $0xFFFFFFFF  }
0xad: {  	[dreg:$0x0] =	wrdreg $0x60  }
0xae: {  	[dreg:$0x2] =	wrdreg s2  }
0xaf: {  	[dreg:$0x3] =	wrdreg s24  }
0xb0: {  	[dreg:$0x4] =	wrdreg $0x9  }
0xb1: {  	_ =	task.clear_ibuf [dreg:s7], $0x5FFFF;
	_ =	strace $0x90000046  }
0xb2: {  	s29 =	simm.s32 $0x9;
	_ =	strace $0x80000048  }
0xb3: {  	_ =	swait.ge [sflag:s29], $0x1  }
0xb4: {  	[sflag:s29] =	ssyncadd.s32 $0xFFFFFFFF  }
0xb5: {  	_ =	strace $0x90000048  }
0xb6: {  	_ =	sfence  }
0xb7: {  	s30 =	sld [smem:$0x0];
	_ =	sdelay $0x2  }
0xb8: {  	s31 =	sshll.u32 s1, $0xD;
	s1 =	sshrl.u32 s1, $0x2  }
0xb9: {  	s3 =	sand.u32 $0x4000, s31;
	s1 =	sadd.s32 s1, s30  }
0xba: {  	s0 =	sor.u32 s3, s0;
	s1 =	sshll.u32 s1, $0x11  }
0xbb: {  	s0 =	sor.u32 s1, s0  }
0xbc: {  	s0 =	sadd.s32 $0x8F2B, s0  }
0xbd: {  	[sflag:s0] =	ssyncadd.remote.s32 $0x1  }
0xbe: {  	_ =	sfence.sel $0xFFFF  }
0xbf: {  	[dreg:$0x0] =	wrdreg $0xFFFFFFFF;
	(pc) =	sbr.abs _section_cstart, $3  }
0xc0: {  	[dreg:$0x1] =	wrdreg $0xFFFFFFFF  }
0xc1: {  	_ =	task.clear_ibuf [dreg:s7], $0x2FFFF;
	_ =	strace $0x9FFFFFFF  }
0xc2: {  	(tm) =	ssettm $0x7FFFFFFF  }
0xc3: {  	_ =	shalt  }
tec
execute0_lowered:
.L_overlay_start_1:
0x0: {  	(tag) =	ssettag $0x1  }
0x1: {  	s1 =	srdreg.scid;
	s2 =	rddreg [dreg:$0x0]  }
0x2: {  	s0 =	stileid.u32;
	s5 =	rddreg [dreg:$0x1];
	s3 =	simm.s32 $0x0  }
0x3: {  	s15 =	simm.s32 $0x8CA0;
	s16 =	simm.s32 $0x1;
	s10 =	smul.u32 $0x186A0, s0  }
0x4: {  	s17 =	simm.s32 $0x2;
	s9 =	sand.u32 $0x1, s1;
	s14 =	smul.u32 $0x30D40, s0  }
0x5: {  	s18 =	simm.s32 $0x0;
	s24 =	sshll.u32 s0, $0x1;
	s12 =	smul.u32 $0xC350, s9  }
0x6: {  	s1 =	rddreg [dreg:$0x2];
	s4 =	sor.u32 s9, s24;
	s30 =	smul.u32 $0x186A0, s9  }
0x7: {  	[smem:$0x7FF] =	sst s3;
	s13 =	sadd.s32 $0x33F800, s5;
	s6 =	smul.u32 $0xC350, s4  }
0x8: {  	s8 =	ssub.s32 $0x2, s9;
	_ =	strace $0x80000047;
	s7 =	smul.u32 $0xC3500, s4  }
0x9: {  	s11 =	sshrl.u32 s8, $0x1;
	s4 =	sadd.s32 $0x30EA00, s5;
	s31 =	sadd.s32 s14, s13  }
0xa: {  	s14 =	simm.s32 $0xFA0;
	s8 =	ssub.s32 s8, s11;
	s10 =	sadd.s32 s12, s10  }
0xb: {  	s12 =	simm.s32 $0x3;
	s25 =	sshrl.u32 s6, $0x3;
	s26 =	sshrl.u32 s7, $0x3  }
0xc: {  	s28 =	sadd.s32 $0x7D0, s10;
	s7 =	smax.u32 s8, $0x1;
	s9 =	sadd.s32 $0xFA0, s10  }
0xd: {  	s10 =	sadd.s32 s30, s31;
	s5 =	sadd.s32 s4, s25;
	s6 =	sadd.s32 s13, s26  }
0xe: {  	s29 =	sshll.u32 s28, $0x1;
	s11 =	sshrl.u32 s28, $0x3;
	s6 =	sadd.s32 $0x17700, s6  }
0xf: {  	s8 =	sadd.s32 s29, s13;
	s11 =	sadd.s32 s11, s4;
	s13 =	simm.s32 $0x7D0  }
.LBB2_1:
0x10: {  	[tilespmem:s3], [sflag:$0x3] =	stream.linear.gather [hbm4b:s5+s3], $0x7D0, $0x38;
	[tilespmem:$0x109A0] =	vst v63  }
0x11: {  	_ =	swait.ge [sflag:s12], $0x7D0  }
0x12: {  	[sflag:s12] =	ssyncset.done $0x0  }
0x13: {  	[sflag:s12] =	ssyncadd.s32 $0xFFFFF830  }
0x14: {  	[tilespmem:s14], [sflag:$0x1] =	stream.indirect.gather [hbm4b:s2+s13], $0x10, s3, s13, $0xb8;
	[tilespmem:$0x109A0] =	vst v63  }
0x15: {  	_ = 	snop  }
0x16: {  	[tilespmem:s13], [sflag:$0x3] =	stream.linear.gather [hbm4b:s11+s3], $0x7D0, $0x38;
	[tilespmem:$0x109A0] =	vst v63  }
0x17: {  	_ =	swait.ge [sflag:s12], $0x7D0  }
0x18: {  	[sflag:s12] =	ssyncset.done $0x0  }
0x19: {  	[sflag:s12] =	ssyncadd.s32 $0xFFFFF830  }
0x1a: {  	[tilespmem:s15], [sflag:$0x2] =	stream.indirect.gather [hbm4b:s2+s13], $0x10, s13, s13, $0xb8;
	[tilespmem:$0x109A0] =	vst v63  }
0x1b: {  	_ =	swait.ge [sflag:s16], $0x7D00  }
0x1c: {  	[sflag:s16] =	ssyncset.done $0x0  }
0x1d: {  	s19 =	sadd.s32 $0x0, s10;
	[sflag:s16] =	ssyncadd.s32 $0xFFFF8300  }
0x1e: {  	[hbm4b:s19+s3] =	stream.linear.scatter [tilespmem:s14], [sflag:$0x3], $0x7D00, $0x38;
	[tilespmem:$0x109A0] =	vst v63  }
0x1f: {  	_ =	swait.ge [sflag:s12], $0x7D00  }
0x20: {  	s30 =	sshrl.u32 s9, $0x3;
	[sflag:s12] =	ssyncset.done $0x0  }
0x21: {  	s19 =	sadd.s32 s4, s30;
	[sflag:s12] =	ssyncadd.s32 $0xFFFF8300  }
0x22: {  	[tilespmem:s3], [sflag:$0x3] =	stream.linear.gather [hbm4b:s19+s3], $0x7D0, $0x38;
	[tilespmem:$0x109A0] =	vst v63  }
0x23: {  	_ =	swait.ge [sflag:s12], $0x7D0  }
0x24: {  	[sflag:s12] =	ssyncset.done $0x0  }
0x25: {  	[sflag:s12] =	ssyncadd.s32 $0xFFFFF830  }
0x26: {  	[tilespmem:s14], [sflag:$0x1] =	stream.indirect.gather [hbm4b:s2+s13], $0x10, s3, s13, $0xb8;
	[tilespmem:$0x109A0] =	vst v63  }
0x27: {  	_ =	swait.ge [sflag:s17], $0x7D00  }
0x28: {  	[sflag:s17] =	ssyncset.done $0x0  }
0x29: {  	s31 =	sadd.s32 $0x0, s8;
	[sflag:s17] =	ssyncadd.s32 $0xFFFF8300  }
0x2a: {  	[hbm4b:s31+s3] =	stream.linear.scatter [tilespmem:s15], [sflag:$0x3], $0x7D00, $0x38;
	[tilespmem:$0x109A0] =	vst v63  }
0x2b: {  	s20 =	smov.u32 s9;
	_ =	swait.ge [sflag:s12], $0x7D00  }
0x2c: {  	s21 =	smov.u32 s11;
	s19 =	simm.s32 $0x1F40;
	[sflag:s12] =	ssyncset.done $0x0  }
.LBB2_2:
0x2d: {  	[sflag:s12] =	ssyncadd.s32 $0xFFFF8300  }
0x2e: {  	s20 =	sadd.s32 $0xFA0, s20;
	s21 =	sadd.s32 $0x1F4, s21;
	s22 =	smov.u32 s19  }
0x2f: {  	[tilespmem:s13], [sflag:$0x3] =	stream.linear.gather [hbm4b:s21+s3], $0x7D0, $0x38;
	[tilespmem:$0x109A0] =	vst v63  }
0x30: {  	p0 =	sne.s32 s19, $0x157C0;
	s19 =	sadd.s32 $0x1F40, s19;
	_ =	swait.ge [sflag:s12], $0x7D0  }
0x31: {  	[sflag:s12] =	ssyncset.done $0x0  }
0x32: {  	[sflag:s12] =	ssyncadd.s32 $0xFFFFF830  }
0x33: {  	[tilespmem:s15], [sflag:$0x2] =	stream.indirect.gather [hbm4b:s2+s13], $0x10, s13, s13, $0xb8;
	[tilespmem:$0x109A0] =	vst v63  }
0x34: {  	_ =	swait.ge [sflag:s16], $0x7D00  }
0x35: {  	[sflag:s16] =	ssyncset.done $0x0  }
0x36: {  	s23 =	sadd.s32 s22, s10;
	[sflag:s16] =	ssyncadd.s32 $0xFFFF8300  }
0x37: {  	[hbm4b:s23+s3] =	stream.linear.scatter [tilespmem:s14], [sflag:$0x3], $0x7D00, $0x38;
	[tilespmem:$0x109A0] =	vst v63  }
0x38: {  	_ =	swait.ge [sflag:s12], $0x7D00  }
0x39: {  	s23 =	sshrl.u32 s20, $0x3;
	[sflag:s12] =	ssyncset.done $0x0  }
0x3a: {  	s23 =	sadd.s32 s4, s23;
	[sflag:s12] =	ssyncadd.s32 $0xFFFF8300  }
0x3b: {  	[tilespmem:s3], [sflag:$0x3] =	stream.linear.gather [hbm4b:s23+s3], $0x7D0, $0x38;
	[tilespmem:$0x109A0] =	vst v63  }
0x3c: {  	_ =	swait.ge [sflag:s12], $0x7D0  }
0x3d: {  	[sflag:s12] =	ssyncset.done $0x0  }
0x3e: {  	[sflag:s12] =	ssyncadd.s32 $0xFFFFF830  }
0x3f: {  	[tilespmem:s14], [sflag:$0x1] =	stream.indirect.gather [hbm4b:s2+s13], $0x10, s3, s13, $0xb8;
	[tilespmem:$0x109A0] =	vst v63  }
0x40: {  	_ =	swait.ge [sflag:s17], $0x7D00  }
.Ltmp0:
0x41: {  	[sflag:s17] =	ssyncset.done $0x0;
	(pc) =	sbr.rel @p0 .LBB2_2-.Ltmp0, $4  }
0x42: {  	s22 =	sadd.s32 s22, s8;
	[sflag:s17] =	ssyncadd.s32 $0xFFFF8300  }
0x43: {  	[hbm4b:s22+s3] =	stream.linear.scatter [tilespmem:s15], [sflag:$0x3], $0x7D00, $0x38;
	[tilespmem:$0x109A0] =	vst v63  }
0x44: {  	_ =	swait.ge [sflag:s12], $0x7D00  }
0x45: {  	[sflag:s12] =	ssyncset.done $0x0  }
0x46: {  	[sflag:s12] =	ssyncadd.s32 $0xFFFF8300  }
0x47: {  	s18 =	sadd.s32 $0x1, s18;
	_ =	swait.ge [sflag:s16], $0x7D00  }
0x48: {  	p0 =	sne.s32 s18, s7;
	[sflag:s16] =	ssyncset.done $0x0  }
.Ltmp1:
0x49: {  	[sflag:s16] =	ssyncadd.s32 $0xFFFF8300;
	(pc) =	sbr.rel @p0 .LBB2_1-.Ltmp1, $4  }
0x4a: {  	[hbm4b:s6+s3] =	stream.linear.scatter [tilespmem:s14], [sflag:$0x3], $0x7D00, $0x38;
	[tilespmem:$0x109A0] =	vst v63  }
0x4b: {  	_ =	swait.ge [sflag:s12], $0x7D00  }
0x4c: {  	[sflag:s12] =	ssyncset.done $0x0  }
0x4d: {  	[sflag:s12] =	ssyncadd.s32 $0xFFFF8300  }
0x4e: {  	_ =	sfence.sel $0x180000  }
0x4f: {  	[bflag:$0x0] =	sbarrier.arrive $0xFFFF  }
0x50: {  	p0 =	sne.s32 s0, $0x0;
	_ =	strace $0x90000047  }
0x51: {  	s0 =	sadd.s32 @!p0 $0x100000, s1;
	[bflag:$0x2] =	sbarrier.arrive $0xFFFF  }
0x52: {  	[sflag:s0] =	ssyncadd.tile.s32 @!p0 $0x1;
	_ =	shalt  }
.Lfunc_end2:
_tile_overlayer_lowered:
.L_overlay_start_2:
0x53: {  	(tag) =	ssettag $0x2  }
0x54: {  	s0 =	rddreg [dreg:$0x0];
	s2 =	stileid.u32  }
0x55: {  	s1 =	rddreg [dreg:$0x1];
	p0 =	sne.s32 s2, $0x0  }
0x56: {  	s3 =	rddreg [dreg:$0x2];
	[bflag:$0x3] =	sbarrier.arrive $0xFFFF;
	s2 =	simm.s32 @!p0 $0x1C03  }
0x57: {  	[timem:s3], [sflag:s2] =	dma.local @!p0 [hbm:s0], s1  }
0x58: {  	s0 =	simm.s32 @!p0 $0x3  }
0x59: {  	_ =	swait.ge @!p0 [sflag:s0], s1  }
0x5a: {  	s1 =	ssub.s32 @!p0 $0x0, s1;
	[sflag:s0] =	ssyncset.done @!p0 $0x0  }
0x5b: {  	[sflag:s0] =	ssyncadd.s32 @!p0 s1  }
0x5c: {  	[bflag:$0x3] =	sbarrier.arrive $0xFFFF  }
0x5d: {  	_ =	shalt  }

</sc_bundles>
